<compile_context>
chip_gen: v7x
topology: tpu7x:2x2x1
jax: 0.10.2.dev20260603
libtpu: 0.0.44.dev20260713+nightly
codegen_flags: <defaults>
</compile_context>

<pallas_src>
import jax
import jax.numpy as jnp
from jax import lax
from jax.experimental import pallas as pl
from jax.experimental.pallas import tpu as pltpu
from jax.experimental.pallas import tpu_sc as plsc

NS = 16
L = 16
B = 16384
BT = B // NS
V = 5000
D = 64
NG = 8
FPT = D // NG
CRR = 48
NCH = V // L
NTL = V - NCH * L
SCALE = 1.0 / B


def _sc_body(idx_hbm, tableT_hbm, out_hbm, idx_v, cnt_v, cntm_v, tbl_v,
             acc_v, rows_v, fin_v, shcnt_v, shacc_v, semt, semi):
    sid = lax.axis_index("s")
    fgrp = lax.bitwise_and(sid, NG - 1)
    half = lax.shift_right_logical(sid, 3)

    start = pl.multiple_of(sid * BT, BT)
    pltpu.async_copy(idx_hbm.at[pl.ds(start, BT)], idx_v, semi)
    fstart = pl.multiple_of(fgrp * FPT, FPT)
    pltpu.async_copy(tableT_hbm.at[pl.ds(fstart, FPT)], tbl_v, semt)

    def zbody(i, _):
        for j in range(8):
            cnt_v[i, pl.ds(j * L, L)] = jnp.zeros((L,), jnp.float32)
        return 0

    lax.fori_loop(0, CRR, zbody, 0)
    iota = lax.iota(jnp.int32, L)
    for k in range(CRR // L):
        rows_v[pl.ds(k * L, L)] = iota + k * L

    @pl.when(sid == 0)
    def _():
        pltpu.sync_copy(cnt_v, shcnt_v)

    ones = jnp.ones((L,), jnp.float32)
    pltpu.make_async_copy(idx_hbm.at[pl.ds(start, BT)], idx_v, semi).wait()

    def hbody(i, _):
        iv = idx_v[pl.ds(i * L, L)]
        r = lax.shift_right_logical(iv, 7)
        c = lax.bitwise_and(iv, 127)
        plsc.addupdate_scatter(cnt_v, [r, c], ones)
        return 0

    lax.fori_loop(0, BT // L, hbody, 0)
    plsc.subcore_barrier()
    pltpu.sync_copy(cnt_v, shcnt_v.at[rows_v], add=True)
    plsc.subcore_barrier()

    pltpu.async_copy(shcnt_v, cntm_v, semi)
    pltpu.make_async_copy(
        tableT_hbm.at[pl.ds(fstart, FPT)], tbl_v, semt).wait()
    pltpu.make_async_copy(shcnt_v, cntm_v, semi).wait()

    def gbody(gi, a):
        cv = cntm_v[lax.shift_right_logical(gi, 3),
                    pl.ds(lax.bitwise_and(gi, 7) * L, L)]
        col = gi * L
        return tuple(
            a[f] + cv * tbl_v[f, pl.ds(col, L)] for f in range(FPT))

    acc0 = tuple(jnp.zeros((L,), jnp.float32) for _ in range(FPT))
    g0 = half * (NCH // 2)
    acc = lax.fori_loop(g0, g0 + NCH // 2, gbody, acc0)
    lane = lax.iota(jnp.int32, L)
    cv = cntm_v[NCH // 8, pl.ds((NCH % 8) * L, L)]
    cvt = jnp.where((lane < NTL) & (half == 1), cv, 0.0)
    tcol = NCH * L + (lane & (NTL - 1))
    acc = tuple(
        a + cvt * plsc.load_gather(
            tbl_v, [jnp.full((L,), f, jnp.int32), tcol])
        for f, a in enumerate(acc))
    res = jnp.zeros((L,), jnp.float32)
    for f in range(FPT):
        tot = lax.broadcast(jnp.sum(acc[f], axis=0), (L,))
        res = jnp.where(lane == f, tot, res)
    acc_v[pl.ds(0, L)] = res
    off = pl.multiple_of(half * D + fgrp * FPT, FPT)
    pltpu.sync_copy(acc_v.at[pl.ds(0, FPT)], shacc_v.at[pl.ds(off, FPT)])

    plsc.subcore_barrier()

    @pl.when(sid == 0)
    def _():
        pltpu.sync_copy(shacc_v, fin_v)
        for k in range(D // L):
            s = fin_v[pl.ds(k * L, L)] + fin_v[pl.ds(D + k * L, L)]
            acc_v[pl.ds(k * L, L)] = s * SCALE
        pltpu.sync_copy(acc_v, out_hbm)


def kernel(idxs, table):
    mesh = plsc.VectorSubcoreMesh(
        core_axis_name="c", subcore_axis_name="s", num_cores=1)
    f = pl.kernel(
        _sc_body,
        out_type=jax.ShapeDtypeStruct((D,), jnp.float32),
        mesh=mesh,
        scratch_types=[
            pltpu.VMEM((BT,), jnp.int32),
            pltpu.VMEM((CRR, 128), jnp.float32),
            pltpu.VMEM((CRR, 128), jnp.float32),
            pltpu.VMEM((FPT, V), jnp.float32),
            pltpu.VMEM((D,), jnp.float32),
            pltpu.VMEM((CRR,), jnp.int32),
            pltpu.VMEM((2 * D,), jnp.float32),
            pltpu.VMEM_SHARED((CRR, 128), jnp.float32),
            pltpu.VMEM_SHARED((2 * D,), jnp.float32),
            pltpu.SemaphoreType.DMA,
            pltpu.SemaphoreType.DMA,
        ],
        compiler_params=pltpu.CompilerParams(needs_layout_passes=False),
    )
    return f(idxs, table.T)

# --- scband reference (transcript-rebuilt; emitter-appended) ---
"""Pipeline reference for scband-simple-embedding-55482387530398 (READ-ONLY COPY).

The authoritative reference and input builder live on the scoring server;
editing this copy changes nothing except your own understanding.
"""

import jax, jax.numpy as jnp
import numpy as np


def setup_inputs(seed: int = 0) -> dict:
    key = jax.random.key(seed)
    k1, k2 = jax.random.split(key)
    idxs = jax.random.randint(k1, (16384,), 0, 5000, dtype=jnp.int64 if jax.config.jax_enable_x64 else jnp.int32).astype(jnp.int32)
    table = jax.random.normal(k2, (5000, 64), dtype=jnp.float32)
    return {"idxs": idxs, "table": table}


def reference(idxs, table):
    # Faithful translation of SimpleEmbedding.forward at the tensor level:
    # x = emb(idxs); return x.mean(dim=0)
    x = jnp.take(table, idxs, axis=0)
    return x.mean(axis=0)

if __name__ == "__main__":
    import jax
    _d = setup_inputs()
    print(jax.jit(kernel)(*tuple(_d.values())))

</pallas_src>

<mosaic_0001>
#map = affine_map<(d0, d1) -> (0)>
#map1 = affine_map<(d0, d1) -> (0, 0)>
module attributes {stable_mosaic.version = 14 : i64} {
  func.func @_sc_body(%arg0: i32, %arg1: i32, %arg2: memref<16384xi32, #tpu.memory_space<hbm>>, %arg3: memref<64x5000xf32, #tpu.memory_space<hbm>>, %arg4: memref<64xf32, #tpu.memory_space<hbm>>, %arg5: memref<1024xi32, #tpu.memory_space<vmem>>, %arg6: memref<48x128xf32, #tpu.memory_space<vmem>>, %arg7: memref<48x128xf32, #tpu.memory_space<vmem>>, %arg8: memref<8x5000xf32, #tpu.memory_space<vmem>>, %arg9: memref<64xf32, #tpu.memory_space<vmem>>, %arg10: memref<48xi32, #tpu.memory_space<vmem>>, %arg11: memref<128xf32, #tpu.memory_space<vmem>>, %arg12: memref<48x128xf32, #tpu.memory_space<vmem_shared>>, %arg13: memref<128xf32, #tpu.memory_space<vmem_shared>>, %arg14: memref<!tpu.dma_semaphore, #tpu.memory_space<semaphore_mem>>, %arg15: memref<!tpu.dma_semaphore, #tpu.memory_space<semaphore_mem>>) attributes {dimension_semantics = [#tpu.dimension_semantics<core_parallel>, #tpu.dimension_semantics<subcore_parallel>], iteration_bounds = array<i64: 1, 16>, scalar_prefetch = 0 : i64, scratch_operands = 11 : i64, tpu.core_type = #tpu.core_type<sc_vector_subcore>, window_params = [{transform_indices = #map}, {transform_indices = #map1}, {transform_indices = #map}]} {
    %and3A = arith.constant 7 : i32
    %and3A_0 = arith.andi %arg1, %and3A : i32
    %shift_right_logical3A = arith.constant 3 : i32
    %shift_right_logical3A_1 = arith.shrui %arg1, %shift_right_logical3A : i32
    %mul3A = arith.constant 1024 : i32
    %mul3A_2 = arith.muli %arg1, %mul3A : i32
    %multiple_of3A = tpu.assume_multiple %mul3A_2, 1024 : i32
    %dma_start3A = tpu.memref_slice %arg2[%multiple_of3A] : memref<16384xi32, #tpu.memory_space<hbm>> -> memref<1024xi32, #tpu.memory_space<hbm>>
    %dma_start3A_3 = tpu.memref_slice %arg2[%multiple_of3A] : memref<16384xi32, #tpu.memory_space<hbm>> -> memref<1024xi32, #tpu.memory_space<hbm>>
    tpu.enqueue_dma source(%dma_start3A_3 : memref<1024xi32, #tpu.memory_space<hbm>>) target(%arg5 : memref<1024xi32, #tpu.memory_space<vmem>>) target_semaphore(%arg15 : memref<!tpu.dma_semaphore, #tpu.memory_space<semaphore_mem>>)
    %mul3A_4 = arith.constant 8 : i32
    %mul3A_5 = arith.muli %and3A_0, %mul3A_4 : i32
    %multiple_of3A_6 = tpu.assume_multiple %mul3A_5, 8 : i32
    %dma_start3A_7 = arith.constant 0 : i32
    %dma_start3A_8 = tpu.memref_slice %arg3[%multiple_of3A_6, %dma_start3A_7] : memref<64x5000xf32, #tpu.memory_space<hbm>> -> memref<8x5000xf32, #tpu.memory_space<hbm>>
    %dma_start3A_9 = arith.constant 0 : i32
    %dma_start3A_10 = tpu.memref_slice %arg3[%multiple_of3A_6, %dma_start3A_9] : memref<64x5000xf32, #tpu.memory_space<hbm>> -> memref<8x5000xf32, #tpu.memory_space<hbm>>
    tpu.enqueue_dma source(%dma_start3A_10 : memref<8x5000xf32, #tpu.memory_space<hbm>>) target(%arg8 : memref<8x5000xf32, #tpu.memory_space<vmem>>) target_semaphore(%arg14 : memref<!tpu.dma_semaphore, #tpu.memory_space<semaphore_mem>>)
    %scan3A = arith.constant 0 : i32
    %scan3A_11 = arith.constant 0 : i32
    %scan3A_12 = arith.constant 48 : i32
    %scan3A_13 = arith.addi %scan3A_11, %scan3A_12 : i32
    %scan3A_14 = arith.constant 1 : i32
    %scan3A_15 = scf.for %scan3A_218 = %scan3A_11 to %scan3A_13 step %scan3A_14 iter_args(%scan3A_219 = %scan3A) -> (i32)  : i32 {
      %broadcast_in_dim3A_220 = arith.constant 0.000000e+00 : f32
      %broadcast_in_dim3A_221 = vector.broadcast %broadcast_in_dim3A_220 : f32 to vector<16xf32>
      %swap3A_222 = arith.index_cast %scan3A_218 : i32 to index
      %swap3A_223 = arith.constant 0 : index
      %swap3A_224 = tpu.vector_load %arg6[%swap3A_222, %swap3A_223] {strides = array<i32>} : memref<48x128xf32, #tpu.memory_space<vmem>>, vector<16xf32>,
      tpu.vector_store %arg6[%swap3A_222, %swap3A_223], %broadcast_in_dim3A_221 {strides = array<i32>} : memref<48x128xf32, #tpu.memory_space<vmem>>, vector<16xf32>,
      %broadcast_in_dim3A_225 = arith.constant 0.000000e+00 : f32
      %broadcast_in_dim3A_226 = vector.broadcast %broadcast_in_dim3A_225 : f32 to vector<16xf32>
      %swap3A_227 = arith.index_cast %scan3A_218 : i32 to index
      %swap3A_228 = arith.constant 16 : index
      %swap3A_229 = tpu.vector_load %arg6[%swap3A_227, %swap3A_228] {strides = array<i32>} : memref<48x128xf32, #tpu.memory_space<vmem>>, vector<16xf32>,
      tpu.vector_store %arg6[%swap3A_227, %swap3A_228], %broadcast_in_dim3A_226 {strides = array<i32>} : memref<48x128xf32, #tpu.memory_space<vmem>>, vector<16xf32>,
      %broadcast_in_dim3A_230 = arith.constant 0.000000e+00 : f32
      %broadcast_in_dim3A_231 = vector.broadcast %broadcast_in_dim3A_230 : f32 to vector<16xf32>
      %swap3A_232 = arith.index_cast %scan3A_218 : i32 to index
      %swap3A_233 = arith.constant 32 : index
      %swap3A_234 = tpu.vector_load %arg6[%swap3A_232, %swap3A_233] {strides = array<i32>} : memref<48x128xf32, #tpu.memory_space<vmem>>, vector<16xf32>,
      tpu.vector_store %arg6[%swap3A_232, %swap3A_233], %broadcast_in_dim3A_231 {strides = array<i32>} : memref<48x128xf32, #tpu.memory_space<vmem>>, vector<16xf32>,
      %broadcast_in_dim3A_235 = arith.constant 0.000000e+00 : f32
      %broadcast_in_dim3A_236 = vector.broadcast %broadcast_in_dim3A_235 : f32 to vector<16xf32>
      %swap3A_237 = arith.index_cast %scan3A_218 : i32 to index
      %swap3A_238 = arith.constant 48 : index
      %swap3A_239 = tpu.vector_load %arg6[%swap3A_237, %swap3A_238] {strides = array<i32>} : memref<48x128xf32, #tpu.memory_space<vmem>>, vector<16xf32>,
      tpu.vector_store %arg6[%swap3A_237, %swap3A_238], %broadcast_in_dim3A_236 {strides = array<i32>} : memref<48x128xf32, #tpu.memory_space<vmem>>, vector<16xf32>,
      %broadcast_in_dim3A_240 = arith.constant 0.000000e+00 : f32
      %broadcast_in_dim3A_241 = vector.broadcast %broadcast_in_dim3A_240 : f32 to vector<16xf32>
      %swap3A_242 = arith.index_cast %scan3A_218 : i32 to index
      %swap3A_243 = arith.constant 64 : index
      %swap3A_244 = tpu.vector_load %arg6[%swap3A_242, %swap3A_243] {strides = array<i32>} : memref<48x128xf32, #tpu.memory_space<vmem>>, vector<16xf32>,
      tpu.vector_store %arg6[%swap3A_242, %swap3A_243], %broadcast_in_dim3A_241 {strides = array<i32>} : memref<48x128xf32, #tpu.memory_space<vmem>>, vector<16xf32>,
      %broadcast_in_dim3A_245 = arith.constant 0.000000e+00 : f32
      %broadcast_in_dim3A_246 = vector.broadcast %broadcast_in_dim3A_245 : f32 to vector<16xf32>
      %swap3A_247 = arith.index_cast %scan3A_218 : i32 to index
      %swap3A_248 = arith.constant 80 : index
      %swap3A_249 = tpu.vector_load %arg6[%swap3A_247, %swap3A_248] {strides = array<i32>} : memref<48x128xf32, #tpu.memory_space<vmem>>, vector<16xf32>,
      tpu.vector_store %arg6[%swap3A_247, %swap3A_248], %broadcast_in_dim3A_246 {strides = array<i32>} : memref<48x128xf32, #tpu.memory_space<vmem>>, vector<16xf32>,
      %broadcast_in_dim3A_250 = arith.constant 0.000000e+00 : f32
      %broadcast_in_dim3A_251 = vector.broadcast %broadcast_in_dim3A_250 : f32 to vector<16xf32>
      %swap3A_252 = arith.index_cast %scan3A_218 : i32 to index
      %swap3A_253 = arith.constant 96 : index
      %swap3A_254 = tpu.vector_load %arg6[%swap3A_252, %swap3A_253] {strides = array<i32>} : memref<48x128xf32, #tpu.memory_space<vmem>>, vector<16xf32>,
      tpu.vector_store %arg6[%swap3A_252, %swap3A_253], %broadcast_in_dim3A_251 {strides = array<i32>} : memref<48x128xf32, #tpu.memory_space<vmem>>, vector<16xf32>,
      %broadcast_in_dim3A_255 = arith.constant 0.000000e+00 : f32
      %broadcast_in_dim3A_256 = vector.broadcast %broadcast_in_dim3A_255 : f32 to vector<16xf32>
      %swap3A_257 = arith.index_cast %scan3A_218 : i32 to index
      %swap3A_258 = arith.constant 112 : index
      %swap3A_259 = tpu.vector_load %arg6[%swap3A_257, %swap3A_258] {strides = array<i32>} : memref<48x128xf32, #tpu.memory_space<vmem>>, vector<16xf32>,
      tpu.vector_store %arg6[%swap3A_257, %swap3A_258], %broadcast_in_dim3A_256 {strides = array<i32>} : memref<48x128xf32, #tpu.memory_space<vmem>>, vector<16xf32>,
      %scan3A_260 = arith.constant 0 : i32
      scf.yield %scan3A_260 : i32
    }
    %scan3A_16 = arith.constant 48 : i32
    %iota3A = tpu.iota {dimensions = array<i32: 0>} : vector<16xi32>
    %add3A = arith.constant 0 : i32
    %add3A_17 = vector.broadcast %add3A : i32 to vector<16xi32>
    %add3A_18 = arith.addi %iota3A, %add3A_17 : vector<16xi32>
    %swap3A = arith.constant 0 : index
    %swap3A_19 = tpu.vector_load %arg10[%swap3A] {strides = array<i32>} : memref<48xi32, #tpu.memory_space<vmem>>, vector<16xi32>,
    tpu.vector_store %arg10[%swap3A], %add3A_18 {strides = array<i32>} : memref<48xi32, #tpu.memory_space<vmem>>, vector<16xi32>,
    %add3A_20 = arith.constant 16 : i32
    %add3A_21 = vector.broadcast %add3A_20 : i32 to vector<16xi32>
    %add3A_22 = arith.addi %iota3A, %add3A_21 : vector<16xi32>
    %swap3A_23 = arith.constant 16 : index
    %swap3A_24 = tpu.vector_load %arg10[%swap3A_23] {strides = array<i32>} : memref<48xi32, #tpu.memory_space<vmem>>, vector<16xi32>,
    tpu.vector_store %arg10[%swap3A_23], %add3A_22 {strides = array<i32>} : memref<48xi32, #tpu.memory_space<vmem>>, vector<16xi32>,
    %add3A_25 = arith.constant 32 : i32
    %add3A_26 = vector.broadcast %add3A_25 : i32 to vector<16xi32>
    %add3A_27 = arith.addi %iota3A, %add3A_26 : vector<16xi32>
    %swap3A_28 = arith.constant 32 : index
    %swap3A_29 = tpu.vector_load %arg10[%swap3A_28] {strides = array<i32>} : memref<48xi32, #tpu.memory_space<vmem>>, vector<16xi32>,
    tpu.vector_store %arg10[%swap3A_28], %add3A_27 {strides = array<i32>} : memref<48xi32, #tpu.memory_space<vmem>>, vector<16xi32>,
    %eq3A = arith.constant 0 : i32
    %eq3A_30 = arith.cmpi eq, %arg1, %eq3A : i32
    %convert_element_type3A = arith.extui %eq3A_30 : i1 to i32
    %cond3A = arith.constant 0 : i32
    %cond3A_31 = arith.cmpi ne, %convert_element_type3A, %cond3A : i32
    scf.if %cond3A_31 {
      "tpu.region"() ({
        %run_scoped3A = tpu.sem_alloc : memref<!tpu.dma_semaphore, #tpu.memory_space<semaphore_mem>>
        tpu.enqueue_dma source(%arg6 : memref<48x128xf32, #tpu.memory_space<vmem>>) target(%arg12 : memref<48x128xf32, #tpu.memory_space<vmem_shared>>) target_semaphore(%run_scoped3A : memref<!tpu.dma_semaphore, #tpu.memory_space<semaphore_mem>>)
        tpu.wait_dma2 semaphore(%run_scoped3A : memref<!tpu.dma_semaphore, #tpu.memory_space<semaphore_mem>>) src(%arg6 : memref<48x128xf32, #tpu.memory_space<vmem>>) dst(%arg12 : memref<48x128xf32, #tpu.memory_space<vmem_shared>>)
        tpu.yield
      }) : () -> ()
    } else {
    }
    %broadcast_in_dim3A = arith.constant 1.000000e+00 : f32
    %broadcast_in_dim3A_32 = vector.broadcast %broadcast_in_dim3A : f32 to vector<16xf32>
    %dma_wait3A = tpu.memref_slice %arg2[%multiple_of3A] : memref<16384xi32, #tpu.memory_space<hbm>> -> memref<1024xi32, #tpu.memory_space<hbm>>
    %dma_wait3A_33 = tpu.memref_slice %arg2[%multiple_of3A] : memref<16384xi32, #tpu.memory_space<hbm>> -> memref<1024xi32, #tpu.memory_space<hbm>>
    tpu.wait_dma2 semaphore(%arg15 : memref<!tpu.dma_semaphore, #tpu.memory_space<semaphore_mem>>) src(%dma_wait3A_33 : memref<1024xi32, #tpu.memory_space<hbm>>) dst(%arg5 : memref<1024xi32, #tpu.memory_space<vmem>>)
    %scan3A_34 = arith.constant 0 : i32
    %scan3A_35 = arith.constant 0 : i32
    %scan3A_36 = arith.constant 64 : i32
    %scan3A_37 = arith.addi %scan3A_35, %scan3A_36 : i32
    %scan3A_38 = arith.constant 1 : i32
    %scan3A_39 = scf.for %scan3A_218 = %scan3A_35 to %scan3A_37 step %scan3A_38 iter_args(%scan3A_219 = %scan3A_34) -> (i32)  : i32 {
      %mul3A_220 = arith.constant 16 : i32
      %mul3A_221 = arith.muli %scan3A_218, %mul3A_220 : i32
      %get3A_222 = arith.index_cast %mul3A_221 : i32 to index
      %get3A_223 = tpu.vector_load %arg5[%get3A_222] {strides = array<i32>} : memref<1024xi32, #tpu.memory_space<vmem>>, vector<16xi32>,
      %shift_right_logical3A_224 = arith.constant 7 : i32
      %shift_right_logical3A_225 = vector.broadcast %shift_right_logical3A_224 : i32 to vector<16xi32>
      %shift_right_logical3A_226 = arith.shrui %get3A_223, %shift_right_logical3A_225 : vector<16xi32>
      %and3A_227 = arith.constant 127 : i32
      %and3A_228 = vector.broadcast %and3A_227 : i32 to vector<16xi32>
      %and3A_229 = arith.andi %get3A_223, %and3A_228 : vector<16xi32>
      tpu.vector_store_idx %arg6[%shift_right_logical3A_226, %and3A_229], %broadcast_in_dim3A_32 {add = true} : memref<48x128xf32, #tpu.memory_space<vmem>>[vector<16xi32>, vector<16xi32>], vector<16xf32>,
      %scan3A_230 = arith.constant 0 : i32
      scf.yield %scan3A_230 : i32
    }
    %scan3A_40 = arith.constant 64 : i32
    %barrier3A = arith.constant 0 : index
    tpu.barrier barrier_id(%barrier3A)
    "tpu.region"() ({
      %run_scoped3A = tpu.sem_alloc : memref<!tpu.dma_semaphore, #tpu.memory_space<semaphore_mem>>
      %dma_start3A_218 = arith.constant 0 : i32
      %dma_start3A_219 = arith.constant 0 : i32
      %dma_start3A_220 = tpu.memref_slice %arg12[%dma_start3A_218, %dma_start3A_219] : memref<48x128xf32, #tpu.memory_space<vmem_shared>> -> memref<48x128xf32, #tpu.memory_space<vmem_shared>>
      tpu.enqueue_indirect_dma source(%arg6 : memref<48x128xf32, #tpu.memory_space<vmem>>) target(%dma_start3A_220 : memref<48x128xf32, #tpu.memory_space<vmem_shared>>) offsets(%arg10 : memref<48xi32, #tpu.memory_space<vmem>>) semaphore(%run_scoped3A : memref<!tpu.dma_semaphore, #tpu.memory_space<semaphore_mem>>) {add = true}
      %dma_wait3A_221 = arith.constant 0 : i32
      %dma_wait3A_222 = arith.constant 0 : i32
      %dma_wait3A_223 = tpu.memref_slice %arg12[%dma_wait3A_221, %dma_wait3A_222] : memref<48x128xf32, #tpu.memory_space<vmem_shared>> -> memref<48x128xf32, #tpu.memory_space<vmem_shared>>
      tpu.wait_indirect_dma semaphore(%run_scoped3A : memref<!tpu.dma_semaphore, #tpu.memory_space<semaphore_mem>>) src(%arg6 : memref<48x128xf32, #tpu.memory_space<vmem>>) dst(%dma_wait3A_223 : memref<48x128xf32, #tpu.memory_space<vmem_shared>>)
      tpu.yield
    }) : () -> ()
    %barrier3A_41 = arith.constant 0 : index
    tpu.barrier barrier_id(%barrier3A_41)
    tpu.enqueue_dma source(%arg12 : memref<48x128xf32, #tpu.memory_space<vmem_shared>>) target(%arg7 : memref<48x128xf32, #tpu.memory_space<vmem>>) target_semaphore(%arg15 : memref<!tpu.dma_semaphore, #tpu.memory_space<semaphore_mem>>)
    %dma_wait3A_42 = arith.constant 0 : i32
    %dma_wait3A_43 = tpu.memref_slice %arg3[%multiple_of3A_6, %dma_wait3A_42] : memref<64x5000xf32, #tpu.memory_space<hbm>> -> memref<8x5000xf32, #tpu.memory_space<hbm>>
    %dma_wait3A_44 = arith.constant 0 : i32
    %dma_wait3A_45 = tpu.memref_slice %arg3[%multiple_of3A_6, %dma_wait3A_44] : memref<64x5000xf32, #tpu.memory_space<hbm>> -> memref<8x5000xf32, #tpu.memory_space<hbm>>
    tpu.wait_dma2 semaphore(%arg14 : memref<!tpu.dma_semaphore, #tpu.memory_space<semaphore_mem>>) src(%dma_wait3A_45 : memref<8x5000xf32, #tpu.memory_space<hbm>>) dst(%arg8 : memref<8x5000xf32, #tpu.memory_space<vmem>>)
    tpu.wait_dma2 semaphore(%arg15 : memref<!tpu.dma_semaphore, #tpu.memory_space<semaphore_mem>>) src(%arg12 : memref<48x128xf32, #tpu.memory_space<vmem_shared>>) dst(%arg7 : memref<48x128xf32, #tpu.memory_space<vmem>>)
    %broadcast_in_dim3A_46 = arith.constant 0.000000e+00 : f32
    %broadcast_in_dim3A_47 = vector.broadcast %broadcast_in_dim3A_46 : f32 to vector<16xf32>
    %broadcast_in_dim3A_48 = arith.constant 0.000000e+00 : f32
    %broadcast_in_dim3A_49 = vector.broadcast %broadcast_in_dim3A_48 : f32 to vector<16xf32>
    %broadcast_in_dim3A_50 = arith.constant 0.000000e+00 : f32
    %broadcast_in_dim3A_51 = vector.broadcast %broadcast_in_dim3A_50 : f32 to vector<16xf32>
    %broadcast_in_dim3A_52 = arith.constant 0.000000e+00 : f32
    %broadcast_in_dim3A_53 = vector.broadcast %broadcast_in_dim3A_52 : f32 to vector<16xf32>
    %broadcast_in_dim3A_54 = arith.constant 0.000000e+00 : f32
    %broadcast_in_dim3A_55 = vector.broadcast %broadcast_in_dim3A_54 : f32 to vector<16xf32>
    %broadcast_in_dim3A_56 = arith.constant 0.000000e+00 : f32
    %broadcast_in_dim3A_57 = vector.broadcast %broadcast_in_dim3A_56 : f32 to vector<16xf32>
    %broadcast_in_dim3A_58 = arith.constant 0.000000e+00 : f32
    %broadcast_in_dim3A_59 = vector.broadcast %broadcast_in_dim3A_58 : f32 to vector<16xf32>
    %broadcast_in_dim3A_60 = arith.constant 0.000000e+00 : f32
    %broadcast_in_dim3A_61 = vector.broadcast %broadcast_in_dim3A_60 : f32 to vector<16xf32>
    %mul3A_62 = arith.constant 156 : i32
    %mul3A_63 = arith.muli %shift_right_logical3A_1, %mul3A_62 : i32
    %add3A_64 = arith.constant 156 : i32
    %add3A_65 = arith.addi %mul3A_63, %add3A_64 : i32
    %while3A = arith.subi %add3A_65, %mul3A_63 : i32
    %while3A_66 = arith.addi %mul3A_63, %while3A : i32
    %while3A_67 = arith.constant 1 : i32
    %while3A_68 = arith.divsi %while3A, %while3A_67 : i32
    %while3A_69 = arith.muli %while3A_68, %while3A_67 : i32
    %while3A_70 = arith.addi %mul3A_63, %while3A_69 : i32
    %while3A_71 = arith.constant 1 : i32
    %while3A_72:8 = scf.for %while3A_218 = %mul3A_63 to %while3A_70 step %while3A_71 iter_args(%while3A_219 = %broadcast_in_dim3A_47, %while3A_220 = %broadcast_in_dim3A_49, %while3A_221 = %broadcast_in_dim3A_51, %while3A_222 = %broadcast_in_dim3A_53, %while3A_223 = %broadcast_in_dim3A_55, %while3A_224 = %broadcast_in_dim3A_57, %while3A_225 = %broadcast_in_dim3A_59, %while3A_226 = %broadcast_in_dim3A_61) -> (vector<16xf32>, vector<16xf32>, vector<16xf32>, vector<16xf32>, vector<16xf32>, vector<16xf32>, vector<16xf32>, vector<16xf32>)  : i32 {
      %shift_right_logical3A_227 = arith.constant 3 : i32
      %shift_right_logical3A_228 = arith.shrui %while3A_218, %shift_right_logical3A_227 : i32
      %and3A_229 = arith.constant 7 : i32
      %and3A_230 = arith.andi %while3A_218, %and3A_229 : i32
      %mul3A_231 = arith.constant 16 : i32
      %mul3A_232 = arith.muli %and3A_230, %mul3A_231 : i32
      %get3A_233 = arith.index_cast %shift_right_logical3A_228 : i32 to index
      %get3A_234 = arith.index_cast %mul3A_232 : i32 to index
      %get3A_235 = tpu.vector_load %arg7[%get3A_233, %get3A_234] {strides = array<i32>} : memref<48x128xf32, #tpu.memory_space<vmem>>, vector<16xf32>,
      %mul3A_236 = arith.constant 16 : i32
      %mul3A_237 = arith.muli %while3A_218, %mul3A_236 : i32
      %get3A_238 = arith.constant 0 : i32
      %get3A_239 = arith.index_cast %get3A_238 : i32 to index
      %get3A_240 = arith.index_cast %mul3A_237 : i32 to index
      %get3A_241 = tpu.vector_load %arg8[%get3A_239, %get3A_240] {strides = array<i32>} : memref<8x5000xf32, #tpu.memory_space<vmem>>, vector<16xf32>,
      %mul3A_242 = arith.mulf %get3A_235, %get3A_241 : vector<16xf32>
      %add3A_243 = arith.addf %while3A_219, %mul3A_242 : vector<16xf32>
      %get3A_244 = arith.constant 1 : i32
      %get3A_245 = arith.index_cast %get3A_244 : i32 to index
      %get3A_246 = arith.index_cast %mul3A_237 : i32 to index
      %get3A_247 = tpu.vector_load %arg8[%get3A_245, %get3A_246] {strides = array<i32>} : memref<8x5000xf32, #tpu.memory_space<vmem>>, vector<16xf32>,
      %mul3A_248 = arith.mulf %get3A_235, %get3A_247 : vector<16xf32>
      %add3A_249 = arith.addf %while3A_220, %mul3A_248 : vector<16xf32>
      %get3A_250 = arith.constant 2 : i32
      %get3A_251 = arith.index_cast %get3A_250 : i32 to index
      %get3A_252 = arith.index_cast %mul3A_237 : i32 to index
      %get3A_253 = tpu.vector_load %arg8[%get3A_251, %get3A_252] {strides = array<i32>} : memref<8x5000xf32, #tpu.memory_space<vmem>>, vector<16xf32>,
      %mul3A_254 = arith.mulf %get3A_235, %get3A_253 : vector<16xf32>
      %add3A_255 = arith.addf %while3A_221, %mul3A_254 : vector<16xf32>
      %get3A_256 = arith.constant 3 : i32
      %get3A_257 = arith.index_cast %get3A_256 : i32 to index
      %get3A_258 = arith.index_cast %mul3A_237 : i32 to index
      %get3A_259 = tpu.vector_load %arg8[%get3A_257, %get3A_258] {strides = array<i32>} : memref<8x5000xf32, #tpu.memory_space<vmem>>, vector<16xf32>,
      %mul3A_260 = arith.mulf %get3A_235, %get3A_259 : vector<16xf32>
      %add3A_261 = arith.addf %while3A_222, %mul3A_260 : vector<16xf32>
      %get3A_262 = arith.constant 4 : i32
      %get3A_263 = arith.index_cast %get3A_262 : i32 to index
      %get3A_264 = arith.index_cast %mul3A_237 : i32 to index
      %get3A_265 = tpu.vector_load %arg8[%get3A_263, %get3A_264] {strides = array<i32>} : memref<8x5000xf32, #tpu.memory_space<vmem>>, vector<16xf32>,
      %mul3A_266 = arith.mulf %get3A_235, %get3A_265 : vector<16xf32>
      %add3A_267 = arith.addf %while3A_223, %mul3A_266 : vector<16xf32>
      %get3A_268 = arith.constant 5 : i32
      %get3A_269 = arith.index_cast %get3A_268 : i32 to index
      %get3A_270 = arith.index_cast %mul3A_237 : i32 to index
      %get3A_271 = tpu.vector_load %arg8[%get3A_269, %get3A_270] {strides = array<i32>} : memref<8x5000xf32, #tpu.memory_space<vmem>>, vector<16xf32>,
      %mul3A_272 = arith.mulf %get3A_235, %get3A_271 : vector<16xf32>
      %add3A_273 = arith.addf %while3A_224, %mul3A_272 : vector<16xf32>
      %get3A_274 = arith.constant 6 : i32
      %get3A_275 = arith.index_cast %get3A_274 : i32 to index
      %get3A_276 = arith.index_cast %mul3A_237 : i32 to index
      %get3A_277 = tpu.vector_load %arg8[%get3A_275, %get3A_276] {strides = array<i32>} : memref<8x5000xf32, #tpu.memory_space<vmem>>, vector<16xf32>,
      %mul3A_278 = arith.mulf %get3A_235, %get3A_277 : vector<16xf32>
      %add3A_279 = arith.addf %while3A_225, %mul3A_278 : vector<16xf32>
      %get3A_280 = arith.constant 7 : i32
      %get3A_281 = arith.index_cast %get3A_280 : i32 to index
      %get3A_282 = arith.index_cast %mul3A_237 : i32 to index
      %get3A_283 = tpu.vector_load %arg8[%get3A_281, %get3A_282] {strides = array<i32>} : memref<8x5000xf32, #tpu.memory_space<vmem>>, vector<16xf32>,
      %mul3A_284 = arith.mulf %get3A_235, %get3A_283 : vector<16xf32>
      %add3A_285 = arith.addf %while3A_226, %mul3A_284 : vector<16xf32>
      scf.yield %add3A_243, %add3A_249, %add3A_255, %add3A_261, %add3A_267, %add3A_273, %add3A_279, %add3A_285 : vector<16xf32>, vector<16xf32>, vector<16xf32>, vector<16xf32>, vector<16xf32>, vector<16xf32>, vector<16xf32>, vector<16xf32>
    }
    %while3A_73 = arith.constant 1 : i32
    %while3A_74:8 = scf.for %while3A_218 = %while3A_70 to %while3A_66 step %while3A_73 iter_args(%while3A_219 = %while3A_72#0, %while3A_220 = %while3A_72#1, %while3A_221 = %while3A_72#2, %while3A_222 = %while3A_72#3, %while3A_223 = %while3A_72#4, %while3A_224 = %while3A_72#5, %while3A_225 = %while3A_72#6, %while3A_226 = %while3A_72#7) -> (vector<16xf32>, vector<16xf32>, vector<16xf32>, vector<16xf32>, vector<16xf32>, vector<16xf32>, vector<16xf32>, vector<16xf32>)  : i32 {
      %shift_right_logical3A_227 = arith.constant 3 : i32
      %shift_right_logical3A_228 = arith.shrui %while3A_218, %shift_right_logical3A_227 : i32
      %and3A_229 = arith.constant 7 : i32
      %and3A_230 = arith.andi %while3A_218, %and3A_229 : i32
      %mul3A_231 = arith.constant 16 : i32
      %mul3A_232 = arith.muli %and3A_230, %mul3A_231 : i32
      %get3A_233 = arith.index_cast %shift_right_logical3A_228 : i32 to index
      %get3A_234 = arith.index_cast %mul3A_232 : i32 to index
      %get3A_235 = tpu.vector_load %arg7[%get3A_233, %get3A_234] {strides = array<i32>} : memref<48x128xf32, #tpu.memory_space<vmem>>, vector<16xf32>,
      %mul3A_236 = arith.constant 16 : i32
      %mul3A_237 = arith.muli %while3A_218, %mul3A_236 : i32
      %get3A_238 = arith.constant 0 : i32
      %get3A_239 = arith.index_cast %get3A_238 : i32 to index
      %get3A_240 = arith.index_cast %mul3A_237 : i32 to index
      %get3A_241 = tpu.vector_load %arg8[%get3A_239, %get3A_240] {strides = array<i32>} : memref<8x5000xf32, #tpu.memory_space<vmem>>, vector<16xf32>,
      %mul3A_242 = arith.mulf %get3A_235, %get3A_241 : vector<16xf32>
      %add3A_243 = arith.addf %while3A_219, %mul3A_242 : vector<16xf32>
      %get3A_244 = arith.constant 1 : i32
      %get3A_245 = arith.index_cast %get3A_244 : i32 to index
      %get3A_246 = arith.index_cast %mul3A_237 : i32 to index
      %get3A_247 = tpu.vector_load %arg8[%get3A_245, %get3A_246] {strides = array<i32>} : memref<8x5000xf32, #tpu.memory_space<vmem>>, vector<16xf32>,
      %mul3A_248 = arith.mulf %get3A_235, %get3A_247 : vector<16xf32>
      %add3A_249 = arith.addf %while3A_220, %mul3A_248 : vector<16xf32>
      %get3A_250 = arith.constant 2 : i32
      %get3A_251 = arith.index_cast %get3A_250 : i32 to index
      %get3A_252 = arith.index_cast %mul3A_237 : i32 to index
      %get3A_253 = tpu.vector_load %arg8[%get3A_251, %get3A_252] {strides = array<i32>} : memref<8x5000xf32, #tpu.memory_space<vmem>>, vector<16xf32>,
      %mul3A_254 = arith.mulf %get3A_235, %get3A_253 : vector<16xf32>
      %add3A_255 = arith.addf %while3A_221, %mul3A_254 : vector<16xf32>
      %get3A_256 = arith.constant 3 : i32
      %get3A_257 = arith.index_cast %get3A_256 : i32 to index
      %get3A_258 = arith.index_cast %mul3A_237 : i32 to index
      %get3A_259 = tpu.vector_load %arg8[%get3A_257, %get3A_258] {strides = array<i32>} : memref<8x5000xf32, #tpu.memory_space<vmem>>, vector<16xf32>,
      %mul3A_260 = arith.mulf %get3A_235, %get3A_259 : vector<16xf32>
      %add3A_261 = arith.addf %while3A_222, %mul3A_260 : vector<16xf32>
      %get3A_262 = arith.constant 4 : i32
      %get3A_263 = arith.index_cast %get3A_262 : i32 to index
      %get3A_264 = arith.index_cast %mul3A_237 : i32 to index
      %get3A_265 = tpu.vector_load %arg8[%get3A_263, %get3A_264] {strides = array<i32>} : memref<8x5000xf32, #tpu.memory_space<vmem>>, vector<16xf32>,
      %mul3A_266 = arith.mulf %get3A_235, %get3A_265 : vector<16xf32>
      %add3A_267 = arith.addf %while3A_223, %mul3A_266 : vector<16xf32>
      %get3A_268 = arith.constant 5 : i32
      %get3A_269 = arith.index_cast %get3A_268 : i32 to index
      %get3A_270 = arith.index_cast %mul3A_237 : i32 to index
      %get3A_271 = tpu.vector_load %arg8[%get3A_269, %get3A_270] {strides = array<i32>} : memref<8x5000xf32, #tpu.memory_space<vmem>>, vector<16xf32>,
      %mul3A_272 = arith.mulf %get3A_235, %get3A_271 : vector<16xf32>
      %add3A_273 = arith.addf %while3A_224, %mul3A_272 : vector<16xf32>
      %get3A_274 = arith.constant 6 : i32
      %get3A_275 = arith.index_cast %get3A_274 : i32 to index
      %get3A_276 = arith.index_cast %mul3A_237 : i32 to index
      %get3A_277 = tpu.vector_load %arg8[%get3A_275, %get3A_276] {strides = array<i32>} : memref<8x5000xf32, #tpu.memory_space<vmem>>, vector<16xf32>,
      %mul3A_278 = arith.mulf %get3A_235, %get3A_277 : vector<16xf32>
      %add3A_279 = arith.addf %while3A_225, %mul3A_278 : vector<16xf32>
      %get3A_280 = arith.constant 7 : i32
      %get3A_281 = arith.index_cast %get3A_280 : i32 to index
      %get3A_282 = arith.index_cast %mul3A_237 : i32 to index
      %get3A_283 = tpu.vector_load %arg8[%get3A_281, %get3A_282] {strides = array<i32>} : memref<8x5000xf32, #tpu.memory_space<vmem>>, vector<16xf32>,
      %mul3A_284 = arith.mulf %get3A_235, %get3A_283 : vector<16xf32>
      %add3A_285 = arith.addf %while3A_226, %mul3A_284 : vector<16xf32>
      scf.yield %add3A_243, %add3A_249, %add3A_255, %add3A_261, %add3A_267, %add3A_273, %add3A_279, %add3A_285 : vector<16xf32>, vector<16xf32>, vector<16xf32>, vector<16xf32>, vector<16xf32>, vector<16xf32>, vector<16xf32>, vector<16xf32>
    }
    %iota3A_75 = tpu.iota {dimensions = array<i32: 0>} : vector<16xi32>
    %get3A = arith.constant 39 : i32
    %get3A_76 = arith.index_cast %get3A : i32 to index
    %get3A_77 = arith.constant 0 : index
    %get3A_78 = tpu.vector_load %arg7[%get3A_76, %get3A_77] {strides = array<i32>} : memref<48x128xf32, #tpu.memory_space<vmem>>, vector<16xf32>,
    %lt3A = arith.constant 8 : i32
    %lt3A_79 = vector.broadcast %lt3A : i32 to vector<16xi32>
    %lt3A_80 = arith.cmpi slt, %iota3A_75, %lt3A_79 : vector<16xi32>
    %eq3A_81 = arith.constant 1 : i32
    %eq3A_82 = arith.cmpi eq, %shift_right_logical3A_1, %eq3A_81 : i32
    %and3A_83 = vector.broadcast %eq3A_82 : i1 to vector<16xi1>
    %and3A_84 = arith.andi %lt3A_80, %and3A_83 : vector<16xi1>
    %jit3A = arith.constant 0.000000e+00 : f32
    %broadcast_in_dim3A_85 = vector.broadcast %jit3A : f32 to vector<16xf32>
    %select_n3A = arith.select %and3A_84, %get3A_78, %broadcast_in_dim3A_85 : vector<16xi1>, vector<16xf32>
    %and3A_86 = arith.constant 7 : i32
    %and3A_87 = vector.broadcast %and3A_86 : i32 to vector<16xi32>
    %and3A_88 = arith.andi %iota3A_75, %and3A_87 : vector<16xi32>
    %add3A_89 = arith.constant 4992 : i32
    %add3A_90 = vector.broadcast %add3A_89 : i32 to vector<16xi32>
    %add3A_91 = arith.addi %add3A_90, %and3A_88 : vector<16xi32>
    %broadcast_in_dim3A_92 = arith.constant 0 : i32
    %broadcast_in_dim3A_93 = vector.broadcast %broadcast_in_dim3A_92 : i32 to vector<16xi32>
    %gather3A = tpu.vector_load_idx %arg8[%broadcast_in_dim3A_93, %add3A_91] : memref<8x5000xf32, #tpu.memory_space<vmem>>[vector<16xi32>, vector<16xi32>], vector<16xf32>,
    %mul3A_94 = arith.mulf %select_n3A, %gather3A : vector<16xf32>
    %add3A_95 = arith.addf %while3A_74#0, %mul3A_94 : vector<16xf32>
    %broadcast_in_dim3A_96 = arith.constant 1 : i32
    %broadcast_in_dim3A_97 = vector.broadcast %broadcast_in_dim3A_96 : i32 to vector<16xi32>
    %gather3A_98 = tpu.vector_load_idx %arg8[%broadcast_in_dim3A_97, %add3A_91] : memref<8x5000xf32, #tpu.memory_space<vmem>>[vector<16xi32>, vector<16xi32>], vector<16xf32>,
    %mul3A_99 = arith.mulf %select_n3A, %gather3A_98 : vector<16xf32>
    %add3A_100 = arith.addf %while3A_74#1, %mul3A_99 : vector<16xf32>
    %broadcast_in_dim3A_101 = arith.constant 2 : i32
    %broadcast_in_dim3A_102 = vector.broadcast %broadcast_in_dim3A_101 : i32 to vector<16xi32>
    %gather3A_103 = tpu.vector_load_idx %arg8[%broadcast_in_dim3A_102, %add3A_91] : memref<8x5000xf32, #tpu.memory_space<vmem>>[vector<16xi32>, vector<16xi32>], vector<16xf32>,
    %mul3A_104 = arith.mulf %select_n3A, %gather3A_103 : vector<16xf32>
    %add3A_105 = arith.addf %while3A_74#2, %mul3A_104 : vector<16xf32>
    %broadcast_in_dim3A_106 = arith.constant 3 : i32
    %broadcast_in_dim3A_107 = vector.broadcast %broadcast_in_dim3A_106 : i32 to vector<16xi32>
    %gather3A_108 = tpu.vector_load_idx %arg8[%broadcast_in_dim3A_107, %add3A_91] : memref<8x5000xf32, #tpu.memory_space<vmem>>[vector<16xi32>, vector<16xi32>], vector<16xf32>,
    %mul3A_109 = arith.mulf %select_n3A, %gather3A_108 : vector<16xf32>
    %add3A_110 = arith.addf %while3A_74#3, %mul3A_109 : vector<16xf32>
    %broadcast_in_dim3A_111 = arith.constant 4 : i32
    %broadcast_in_dim3A_112 = vector.broadcast %broadcast_in_dim3A_111 : i32 to vector<16xi32>
    %gather3A_113 = tpu.vector_load_idx %arg8[%broadcast_in_dim3A_112, %add3A_91] : memref<8x5000xf32, #tpu.memory_space<vmem>>[vector<16xi32>, vector<16xi32>], vector<16xf32>,
    %mul3A_114 = arith.mulf %select_n3A, %gather3A_113 : vector<16xf32>
    %add3A_115 = arith.addf %while3A_74#4, %mul3A_114 : vector<16xf32>
    %broadcast_in_dim3A_116 = arith.constant 5 : i32
    %broadcast_in_dim3A_117 = vector.broadcast %broadcast_in_dim3A_116 : i32 to vector<16xi32>
    %gather3A_118 = tpu.vector_load_idx %arg8[%broadcast_in_dim3A_117, %add3A_91] : memref<8x5000xf32, #tpu.memory_space<vmem>>[vector<16xi32>, vector<16xi32>], vector<16xf32>,
    %mul3A_119 = arith.mulf %select_n3A, %gather3A_118 : vector<16xf32>
    %add3A_120 = arith.addf %while3A_74#5, %mul3A_119 : vector<16xf32>
    %broadcast_in_dim3A_121 = arith.constant 6 : i32
    %broadcast_in_dim3A_122 = vector.broadcast %broadcast_in_dim3A_121 : i32 to vector<16xi32>
    %gather3A_123 = tpu.vector_load_idx %arg8[%broadcast_in_dim3A_122, %add3A_91] : memref<8x5000xf32, #tpu.memory_space<vmem>>[vector<16xi32>, vector<16xi32>], vector<16xf32>,
    %mul3A_124 = arith.mulf %select_n3A, %gather3A_123 : vector<16xf32>
    %add3A_125 = arith.addf %while3A_74#6, %mul3A_124 : vector<16xf32>
    %broadcast_in_dim3A_126 = arith.constant 7 : i32
    %broadcast_in_dim3A_127 = vector.broadcast %broadcast_in_dim3A_126 : i32 to vector<16xi32>
    %gather3A_128 = tpu.vector_load_idx %arg8[%broadcast_in_dim3A_127, %add3A_91] : memref<8x5000xf32, #tpu.memory_space<vmem>>[vector<16xi32>, vector<16xi32>], vector<16xf32>,
    %mul3A_129 = arith.mulf %select_n3A, %gather3A_128 : vector<16xf32>
    %add3A_130 = arith.addf %while3A_74#7, %mul3A_129 : vector<16xf32>
    %broadcast_in_dim3A_131 = arith.constant 0.000000e+00 : f32
    %broadcast_in_dim3A_132 = vector.broadcast %broadcast_in_dim3A_131 : f32 to vector<16xf32>
    %reduce_sum3A = arith.constant true
    %reduce_sum3A_133 = vector.broadcast %reduce_sum3A : i1 to vector<16xi1>
    %reduce_sum3A_134 = tpu.scan <sum>, %add3A_95 masked %reduce_sum3A_133 : vector<16xf32>, vector<16xi1> -> vector<16xf32>
    %reduce_sum3A_135 = vector.extract %reduce_sum3A_134[15] : f32 from vector<16xf32>
    %broadcast_in_dim3A_136 = vector.broadcast %reduce_sum3A_135 : f32 to vector<16xf32>
    %eq3A_137 = arith.constant 0 : i32
    %eq3A_138 = vector.broadcast %eq3A_137 : i32 to vector<16xi32>
    %eq3A_139 = arith.cmpi eq, %iota3A_75, %eq3A_138 : vector<16xi32>
    %select_n3A_140 = arith.select %eq3A_139, %broadcast_in_dim3A_136, %broadcast_in_dim3A_132 : vector<16xi1>, vector<16xf32>
    %reduce_sum3A_141 = arith.constant true
    %reduce_sum3A_142 = vector.broadcast %reduce_sum3A_141 : i1 to vector<16xi1>
    %reduce_sum3A_143 = tpu.scan <sum>, %add3A_100 masked %reduce_sum3A_142 : vector<16xf32>, vector<16xi1> -> vector<16xf32>
    %reduce_sum3A_144 = vector.extract %reduce_sum3A_143[15] : f32 from vector<16xf32>
    %broadcast_in_dim3A_145 = vector.broadcast %reduce_sum3A_144 : f32 to vector<16xf32>
    %eq3A_146 = arith.constant 1 : i32
    %eq3A_147 = vector.broadcast %eq3A_146 : i32 to vector<16xi32>
    %eq3A_148 = arith.cmpi eq, %iota3A_75, %eq3A_147 : vector<16xi32>
    %select_n3A_149 = arith.select %eq3A_148, %broadcast_in_dim3A_145, %select_n3A_140 : vector<16xi1>, vector<16xf32>
    %reduce_sum3A_150 = arith.constant true
    %reduce_sum3A_151 = vector.broadcast %reduce_sum3A_150 : i1 to vector<16xi1>
    %reduce_sum3A_152 = tpu.scan <sum>, %add3A_105 masked %reduce_sum3A_151 : vector<16xf32>, vector<16xi1> -> vector<16xf32>
    %reduce_sum3A_153 = vector.extract %reduce_sum3A_152[15] : f32 from vector<16xf32>
    %broadcast_in_dim3A_154 = vector.broadcast %reduce_sum3A_153 : f32 to vector<16xf32>
    %eq3A_155 = arith.constant 2 : i32
    %eq3A_156 = vector.broadcast %eq3A_155 : i32 to vector<16xi32>
    %eq3A_157 = arith.cmpi eq, %iota3A_75, %eq3A_156 : vector<16xi32>
    %select_n3A_158 = arith.select %eq3A_157, %broadcast_in_dim3A_154, %select_n3A_149 : vector<16xi1>, vector<16xf32>
    %reduce_sum3A_159 = arith.constant true
    %reduce_sum3A_160 = vector.broadcast %reduce_sum3A_159 : i1 to vector<16xi1>
    %reduce_sum3A_161 = tpu.scan <sum>, %add3A_110 masked %reduce_sum3A_160 : vector<16xf32>, vector<16xi1> -> vector<16xf32>
    %reduce_sum3A_162 = vector.extract %reduce_sum3A_161[15] : f32 from vector<16xf32>
    %broadcast_in_dim3A_163 = vector.broadcast %reduce_sum3A_162 : f32 to vector<16xf32>
    %eq3A_164 = arith.constant 3 : i32
    %eq3A_165 = vector.broadcast %eq3A_164 : i32 to vector<16xi32>
    %eq3A_166 = arith.cmpi eq, %iota3A_75, %eq3A_165 : vector<16xi32>
    %select_n3A_167 = arith.select %eq3A_166, %broadcast_in_dim3A_163, %select_n3A_158 : vector<16xi1>, vector<16xf32>
    %reduce_sum3A_168 = arith.constant true
    %reduce_sum3A_169 = vector.broadcast %reduce_sum3A_168 : i1 to vector<16xi1>
    %reduce_sum3A_170 = tpu.scan <sum>, %add3A_115 masked %reduce_sum3A_169 : vector<16xf32>, vector<16xi1> -> vector<16xf32>
    %reduce_sum3A_171 = vector.extract %reduce_sum3A_170[15] : f32 from vector<16xf32>
    %broadcast_in_dim3A_172 = vector.broadcast %reduce_sum3A_171 : f32 to vector<16xf32>
    %eq3A_173 = arith.constant 4 : i32
    %eq3A_174 = vector.broadcast %eq3A_173 : i32 to vector<16xi32>
    %eq3A_175 = arith.cmpi eq, %iota3A_75, %eq3A_174 : vector<16xi32>
    %select_n3A_176 = arith.select %eq3A_175, %broadcast_in_dim3A_172, %select_n3A_167 : vector<16xi1>, vector<16xf32>
    %reduce_sum3A_177 = arith.constant true
    %reduce_sum3A_178 = vector.broadcast %reduce_sum3A_177 : i1 to vector<16xi1>
    %reduce_sum3A_179 = tpu.scan <sum>, %add3A_120 masked %reduce_sum3A_178 : vector<16xf32>, vector<16xi1> -> vector<16xf32>
    %reduce_sum3A_180 = vector.extract %reduce_sum3A_179[15] : f32 from vector<16xf32>
    %broadcast_in_dim3A_181 = vector.broadcast %reduce_sum3A_180 : f32 to vector<16xf32>
    %eq3A_182 = arith.constant 5 : i32
    %eq3A_183 = vector.broadcast %eq3A_182 : i32 to vector<16xi32>
    %eq3A_184 = arith.cmpi eq, %iota3A_75, %eq3A_183 : vector<16xi32>
    %select_n3A_185 = arith.select %eq3A_184, %broadcast_in_dim3A_181, %select_n3A_176 : vector<16xi1>, vector<16xf32>
    %reduce_sum3A_186 = arith.constant true
    %reduce_sum3A_187 = vector.broadcast %reduce_sum3A_186 : i1 to vector<16xi1>
    %reduce_sum3A_188 = tpu.scan <sum>, %add3A_125 masked %reduce_sum3A_187 : vector<16xf32>, vector<16xi1> -> vector<16xf32>
    %reduce_sum3A_189 = vector.extract %reduce_sum3A_188[15] : f32 from vector<16xf32>
    %broadcast_in_dim3A_190 = vector.broadcast %reduce_sum3A_189 : f32 to vector<16xf32>
    %eq3A_191 = arith.constant 6 : i32
    %eq3A_192 = vector.broadcast %eq3A_191 : i32 to vector<16xi32>
    %eq3A_193 = arith.cmpi eq, %iota3A_75, %eq3A_192 : vector<16xi32>
    %select_n3A_194 = arith.select %eq3A_193, %broadcast_in_dim3A_190, %select_n3A_185 : vector<16xi1>, vector<16xf32>
    %reduce_sum3A_195 = arith.constant true
    %reduce_sum3A_196 = vector.broadcast %reduce_sum3A_195 : i1 to vector<16xi1>
    %reduce_sum3A_197 = tpu.scan <sum>, %add3A_130 masked %reduce_sum3A_196 : vector<16xf32>, vector<16xi1> -> vector<16xf32>
    %reduce_sum3A_198 = vector.extract %reduce_sum3A_197[15] : f32 from vector<16xf32>
    %broadcast_in_dim3A_199 = vector.broadcast %reduce_sum3A_198 : f32 to vector<16xf32>
    %eq3A_200 = arith.constant 7 : i32
    %eq3A_201 = vector.broadcast %eq3A_200 : i32 to vector<16xi32>
    %eq3A_202 = arith.cmpi eq, %iota3A_75, %eq3A_201 : vector<16xi32>
    %select_n3A_203 = arith.select %eq3A_202, %broadcast_in_dim3A_199, %select_n3A_194 : vector<16xi1>, vector<16xf32>
    %swap3A_204 = arith.constant 0 : index
    %swap3A_205 = tpu.vector_load %arg9[%swap3A_204] {strides = array<i32>} : memref<64xf32, #tpu.memory_space<vmem>>, vector<16xf32>,
    tpu.vector_store %arg9[%swap3A_204], %select_n3A_203 {strides = array<i32>} : memref<64xf32, #tpu.memory_space<vmem>>, vector<16xf32>,
    %mul3A_206 = arith.constant 64 : i32
    %mul3A_207 = arith.muli %shift_right_logical3A_1, %mul3A_206 : i32
    %mul3A_208 = arith.constant 8 : i32
    %mul3A_209 = arith.muli %and3A_0, %mul3A_208 : i32
    %add3A_210 = arith.addi %mul3A_207, %mul3A_209 : i32
    %multiple_of3A_211 = tpu.assume_multiple %add3A_210, 8 : i32
    "tpu.region"() ({
      %run_scoped3A = tpu.sem_alloc : memref<!tpu.dma_semaphore, #tpu.memory_space<semaphore_mem>>
      %dma_start3A_218 = arith.constant 0 : i32
      %dma_start3A_219 = tpu.memref_slice %arg9[%dma_start3A_218] : memref<64xf32, #tpu.memory_space<vmem>> -> memref<8xf32, #tpu.memory_space<vmem>>
      %dma_start3A_220 = tpu.memref_slice %arg13[%multiple_of3A_211] : memref<128xf32, #tpu.memory_space<vmem_shared>> -> memref<8xf32, #tpu.memory_space<vmem_shared>>
      %dma_start3A_221 = tpu.memref_slice %arg13[%multiple_of3A_211] : memref<128xf32, #tpu.memory_space<vmem_shared>> -> memref<8xf32, #tpu.memory_space<vmem_shared>>
      %dma_start3A_222 = arith.constant 0 : i32
      %dma_start3A_223 = tpu.memref_slice %arg9[%dma_start3A_222] : memref<64xf32, #tpu.memory_space<vmem>> -> memref<8xf32, #tpu.memory_space<vmem>>
      tpu.enqueue_dma source(%dma_start3A_223 : memref<8xf32, #tpu.memory_space<vmem>>) target(%dma_start3A_221 : memref<8xf32, #tpu.memory_space<vmem_shared>>) target_semaphore(%run_scoped3A : memref<!tpu.dma_semaphore, #tpu.memory_space<semaphore_mem>>)
      %dma_wait3A_224 = arith.constant 0 : i32
      %dma_wait3A_225 = tpu.memref_slice %arg9[%dma_wait3A_224] : memref<64xf32, #tpu.memory_space<vmem>> -> memref<8xf32, #tpu.memory_space<vmem>>
      %dma_wait3A_226 = tpu.memref_slice %arg13[%multiple_of3A_211] : memref<128xf32, #tpu.memory_space<vmem_shared>> -> memref<8xf32, #tpu.memory_space<vmem_shared>>
      %dma_wait3A_227 = tpu.memref_slice %arg13[%multiple_of3A_211] : memref<128xf32, #tpu.memory_space<vmem_shared>> -> memref<8xf32, #tpu.memory_space<vmem_shared>>
      %dma_wait3A_228 = arith.constant 0 : i32
      %dma_wait3A_229 = tpu.memref_slice %arg9[%dma_wait3A_228] : memref<64xf32, #tpu.memory_space<vmem>> -> memref<8xf32, #tpu.memory_space<vmem>>
      tpu.wait_dma2 semaphore(%run_scoped3A : memref<!tpu.dma_semaphore, #tpu.memory_space<semaphore_mem>>) src(%dma_wait3A_229 : memref<8xf32, #tpu.memory_space<vmem>>) dst(%dma_wait3A_227 : memref<8xf32, #tpu.memory_space<vmem_shared>>)
      tpu.yield
    }) : () -> ()
    %barrier3A_212 = arith.constant 0 : index
    tpu.barrier barrier_id(%barrier3A_212)
    %eq3A_213 = arith.constant 0 : i32
    %eq3A_214 = arith.cmpi eq, %arg1, %eq3A_213 : i32
    %convert_element_type3A_215 = arith.extui %eq3A_214 : i1 to i32
    %cond3A_216 = arith.constant 0 : i32
    %cond3A_217 = arith.cmpi ne, %convert_element_type3A_215, %cond3A_216 : i32
    scf.if %cond3A_217 {
      "tpu.region"() ({
        %run_scoped3A = tpu.sem_alloc : memref<!tpu.dma_semaphore, #tpu.memory_space<semaphore_mem>>
        tpu.enqueue_dma source(%arg13 : memref<128xf32, #tpu.memory_space<vmem_shared>>) target(%arg11 : memref<128xf32, #tpu.memory_space<vmem>>) target_semaphore(%run_scoped3A : memref<!tpu.dma_semaphore, #tpu.memory_space<semaphore_mem>>)
        tpu.wait_dma2 semaphore(%run_scoped3A : memref<!tpu.dma_semaphore, #tpu.memory_space<semaphore_mem>>) src(%arg13 : memref<128xf32, #tpu.memory_space<vmem_shared>>) dst(%arg11 : memref<128xf32, #tpu.memory_space<vmem>>)
        tpu.yield
      }) : () -> ()
      %get3A_218 = arith.constant 0 : index
      %get3A_219 = tpu.vector_load %arg11[%get3A_218] {strides = array<i32>} : memref<128xf32, #tpu.memory_space<vmem>>, vector<16xf32>,
      %get3A_220 = arith.constant 64 : index
      %get3A_221 = tpu.vector_load %arg11[%get3A_220] {strides = array<i32>} : memref<128xf32, #tpu.memory_space<vmem>>, vector<16xf32>,
      %add3A_222 = arith.addf %get3A_219, %get3A_221 : vector<16xf32>
      %mul3A_223 = arith.constant 6.10351563E-5 : f32
      %mul3A_224 = vector.broadcast %mul3A_223 : f32 to vector<16xf32>
      %mul3A_225 = arith.mulf %add3A_222, %mul3A_224 : vector<16xf32>
      %swap3A_226 = arith.constant 0 : index
      %swap3A_227 = tpu.vector_load %arg9[%swap3A_226] {strides = array<i32>} : memref<64xf32, #tpu.memory_space<vmem>>, vector<16xf32>,
      tpu.vector_store %arg9[%swap3A_226], %mul3A_225 {strides = array<i32>} : memref<64xf32, #tpu.memory_space<vmem>>, vector<16xf32>,
      %get3A_228 = arith.constant 16 : index
      %get3A_229 = tpu.vector_load %arg11[%get3A_228] {strides = array<i32>} : memref<128xf32, #tpu.memory_space<vmem>>, vector<16xf32>,
      %get3A_230 = arith.constant 80 : index
      %get3A_231 = tpu.vector_load %arg11[%get3A_230] {strides = array<i32>} : memref<128xf32, #tpu.memory_space<vmem>>, vector<16xf32>,
      %add3A_232 = arith.addf %get3A_229, %get3A_231 : vector<16xf32>
      %mul3A_233 = arith.constant 6.10351563E-5 : f32
      %mul3A_234 = vector.broadcast %mul3A_233 : f32 to vector<16xf32>
      %mul3A_235 = arith.mulf %add3A_232, %mul3A_234 : vector<16xf32>
      %swap3A_236 = arith.constant 16 : index
      %swap3A_237 = tpu.vector_load %arg9[%swap3A_236] {strides = array<i32>} : memref<64xf32, #tpu.memory_space<vmem>>, vector<16xf32>,
      tpu.vector_store %arg9[%swap3A_236], %mul3A_235 {strides = array<i32>} : memref<64xf32, #tpu.memory_space<vmem>>, vector<16xf32>,
      %get3A_238 = arith.constant 32 : index
      %get3A_239 = tpu.vector_load %arg11[%get3A_238] {strides = array<i32>} : memref<128xf32, #tpu.memory_space<vmem>>, vector<16xf32>,
      %get3A_240 = arith.constant 96 : index
      %get3A_241 = tpu.vector_load %arg11[%get3A_240] {strides = array<i32>} : memref<128xf32, #tpu.memory_space<vmem>>, vector<16xf32>,
      %add3A_242 = arith.addf %get3A_239, %get3A_241 : vector<16xf32>
      %mul3A_243 = arith.constant 6.10351563E-5 : f32
      %mul3A_244 = vector.broadcast %mul3A_243 : f32 to vector<16xf32>
      %mul3A_245 = arith.mulf %add3A_242, %mul3A_244 : vector<16xf32>
      %swap3A_246 = arith.constant 32 : index
      %swap3A_247 = tpu.vector_load %arg9[%swap3A_246] {strides = array<i32>} : memref<64xf32, #tpu.memory_space<vmem>>, vector<16xf32>,
      tpu.vector_store %arg9[%swap3A_246], %mul3A_245 {strides = array<i32>} : memref<64xf32, #tpu.memory_space<vmem>>, vector<16xf32>,
      %get3A_248 = arith.constant 48 : index
      %get3A_249 = tpu.vector_load %arg11[%get3A_248] {strides = array<i32>} : memref<128xf32, #tpu.memory_space<vmem>>, vector<16xf32>,
      %get3A_250 = arith.constant 112 : index
      %get3A_251 = tpu.vector_load %arg11[%get3A_250] {strides = array<i32>} : memref<128xf32, #tpu.memory_space<vmem>>, vector<16xf32>,
      %add3A_252 = arith.addf %get3A_249, %get3A_251 : vector<16xf32>
      %mul3A_253 = arith.constant 6.10351563E-5 : f32
      %mul3A_254 = vector.broadcast %mul3A_253 : f32 to vector<16xf32>
      %mul3A_255 = arith.mulf %add3A_252, %mul3A_254 : vector<16xf32>
      %swap3A_256 = arith.constant 48 : index
      %swap3A_257 = tpu.vector_load %arg9[%swap3A_256] {strides = array<i32>} : memref<64xf32, #tpu.memory_space<vmem>>, vector<16xf32>,
      tpu.vector_store %arg9[%swap3A_256], %mul3A_255 {strides = array<i32>} : memref<64xf32, #tpu.memory_space<vmem>>, vector<16xf32>,
      "tpu.region"() ({
        %run_scoped3A = tpu.sem_alloc : memref<!tpu.dma_semaphore, #tpu.memory_space<semaphore_mem>>
        tpu.enqueue_dma source(%arg9 : memref<64xf32, #tpu.memory_space<vmem>>) target(%arg4 : memref<64xf32, #tpu.memory_space<hbm>>) target_semaphore(%run_scoped3A : memref<!tpu.dma_semaphore, #tpu.memory_space<semaphore_mem>>)
        tpu.wait_dma2 semaphore(%run_scoped3A : memref<!tpu.dma_semaphore, #tpu.memory_space<semaphore_mem>>) src(%arg9 : memref<64xf32, #tpu.memory_space<vmem>>) dst(%arg4 : memref<64xf32, #tpu.memory_space<hbm>>)
        tpu.yield
      }) : () -> ()
    } else {
    }
    return
  }
}

</mosaic_0001>

<sc_bundles>
// kernel: kernel.3.cloned.1.call-start
scs
__scs_entry_jumppad:
0x0: {  	(pc) =	sbr.rel $0x88, $3  }
0x1: {  	(tag) =	ssettag $0x0;
	lr =	simm.s32 $0x1  }
0x2: {  	[smem:$0x3F9F] =	sst lr;
	_ =	strace $0xD0000000  }
0x3: {  	_ = 	snop  }
0x4: {  	_ = 	snop  }
0x5: {  	_ = 	snop  }
0x6: {  	_ = 	snop  }
0x7: {  	_ = 	snop  }
__scs_overlays_trampoline_lowered:
0x8: {  	[smem:$0x3FAE] =	sst s0  }
0x9: {  	[smem:$0x3FAF] =	sst s1  }
0xa: {  	[smem:$0x3FB0] =	sst s2  }
0xb: {  	[smem:$0x3FB1] =	sst s3  }
0xc: {  	[smem:$0x3FB2] =	sst s4  }
0xd: {  	[smem:$0x3FB3] =	sst s5  }
0xe: {  	[smem:$0x3FB4] =	sst s6  }
0xf: {  	[smem:$0x3FB5] =	sst s7  }
0x10: {  	[smem:$0x3FB6] =	sst s8  }
0x11: {  	[smem:$0x3FB7] =	sst s9;
	s0 =	simm.s32 @!p0 $0x0  }
0x12: {  	s1 =	sld [smem:$0x3F9D];
	s0 =	simm.s32 @p0 $0x1  }
0x13: {  	[smem:$0x3FB8] =	sst s0;
	s0 =	simm.s32 @!p1 $0x0  }
0x14: {  	s2 =	sld [smem:$0x3F9C];
	s0 =	simm.s32 @p1 $0x1  }
0x15: {  	[smem:$0x3FB9] =	sst s0;
	s0 =	simm.s32 @!p2 $0x0  }
0x16: {  	s3 =	sld [smem:$0x3FDB];
	s0 =	simm.s32 @p2 $0x1  }
0x17: {  	s4 =	simm.s32 $0x1BF5;
	[smem:$0x3FBB] =	sst s0  }
0x18: {  	s0 =	sld [smem:$0x3F9E];
	_ =	swait.ge [sflag:s4], $0x0  }
0x19: {  	s7 =	sld [smem:$0x3F9F]  }
0x1a: {  	s8 =	sadd.s32 $0xFFFFE003, lr  }
0x1b: {  	s9 =	sadd.s32 $0xFFFFFEF7, lr;
	s5 =	simm.s32 $0xFFFFFFFF;
	p2 =	slt.u32 s8, $0xFFFFF086  }
0x1c: {  	p1 =	slt.u32 s9, $0xF7A;
	s5 =	simm.s32 @!p2 $0x0  }
0x1d: {  	s5 =	simm.s32 @p1 $0x1;
	p0 =	seq.s32 s7, s2  }
0x1e: {  	s7 =	smul.u32 @!p0 $0xF7A, s2;
	p2 =	seq.s32 @!p0 s5, $0x0  }
0x1f: {  	s9 =	smul.u32 $0xF7A, s1;
	s8 =	simm.s32 @!p0 $0x1BF5;
	p2 =	por !p2, p0  }
0x20: {  	[sflag:s8] =	ssyncset.s32 @!p0 $0xFFFFF086;
	s6 =	sadd.s32 @!p0 s3, s7;
	s7 =	simm.s32 @!p0 $0x108  }
0x21: {  	s3 =	sadd.s32 s3, s9;
	s6 =	sadd.s32 @!p0 $0x88, s6;
	s7 =	simm.s32 @p2 $0x1082  }
0x22: {  	[simem:s7], [sflag:s8] =	dma.local @!p0 [hbm:s6], $0xF7A  }
0x23: {  	s9 =	sor.u32 $0xD0000000, s2;
	s6 =	simm.s32 $0x108;
	_ =	swait.ge @!p0 [sflag:s8], $0x0  }
0x24: {  	s3 =	sadd.s32 $0x88, s3;
	s6 =	simm.s32 @!p1 $0x1082;
	[sflag:s4] =	ssyncset.s32 $0xFFFFF086  }
0x25: {  	[simem:s6], [sflag:s4] =	dma.local [hbm:s3], $0xF7A  }
0x26: {  	[smem:$0x3F9F] =	sst s1;
	(tag) =	ssettag s2;
	_ =	strace s9  }
0x27: {  	s1 =	sld [smem:$0x3FAF]  }
0x28: {  	s2 =	sld [smem:$0x3FB0]  }
0x29: {  	s4 =	sld [smem:$0x3FB2]  }
0x2a: {  	p0 =	seq.s32 s5, $0x0;
	s5 =	sld [smem:$0x3FB3]  }
0x2b: {  	s6 =	sld [smem:$0x3FB4]  }
0x2c: {  	s7 =	sld [smem:$0x3FB5]  }
0x2d: {  	s3 =	simm.s32 $0x108;
	s8 =	sld [smem:$0x3FB6]  }
0x2e: {  	s3 =	simm.s32 @!p0 $0x1082;
	s9 =	sld [smem:$0x3FB7]  }
0x2f: {  	lr =	sadd.s32 s0, s3;
	s0 =	sld [smem:$0x3FAE]  }
0x30: {  	s3 =	sld [smem:$0x3FB1]  }
0x31: {  	[smem:$0x3FBA] =	sst s10  }
0x32: {  	s10 =	sld [smem:$0x3FB8];
	_ =	sdelay $0x3  }
0x33: {  	p0 =	seq.s32 s10, $0x1;
	s10 =	sld [smem:$0x3FBA];
	_ =	sdelay $0x3  }
0x34: {  	[smem:$0x3FBA] =	sst s10  }
0x35: {  	s10 =	sld [smem:$0x3FB9];
	_ =	sdelay $0x3  }
0x36: {  	p1 =	seq.s32 s10, $0x1;
	s10 =	sld [smem:$0x3FBA];
	_ =	sdelay $0x3  }
0x37: {  	[smem:$0x3FBA] =	sst s10  }
0x38: {  	s10 =	sld [smem:$0x3FBB]  }
0x39: {  	_ = 	snop;
	(pc) =	sbr.ind lr, $3  }
0x3a: {  	_ = 	snop  }
0x3b: {  	_ = 	snop  }
0x3c: {  	p2 =	seq.s32 s10, $0x1;
	s10 =	sld [smem:$0x3FBA]  }
0x3d: {  	_ =	shalt  }
0x3e: {  	_ =	shalt  }
0x3f: {  	_ =	shalt  }
0x40: {  	_ =	shalt  }
0x41: {  	_ =	shalt  }
0x42: {  	_ =	shalt  }
0x43: {  	_ =	shalt  }
0x44: {  	_ =	shalt  }
0x45: {  	_ =	shalt  }
0x46: {  	_ =	shalt  }
0x47: {  	_ =	shalt  }
0x48: {  	_ =	shalt  }
0x49: {  	_ =	shalt  }
0x4a: {  	_ =	shalt  }
0x4b: {  	_ =	shalt  }
0x4c: {  	_ =	shalt  }
0x4d: {  	_ =	shalt  }
0x4e: {  	_ =	shalt  }
0x4f: {  	_ =	shalt  }
0x50: {  	_ =	shalt  }
0x51: {  	_ =	shalt  }
0x52: {  	_ =	shalt  }
0x53: {  	_ =	shalt  }
0x54: {  	_ =	shalt  }
0x55: {  	_ =	shalt  }
0x56: {  	_ =	shalt  }
0x57: {  	_ =	shalt  }
0x58: {  	_ =	shalt  }
0x59: {  	_ =	shalt  }
0x5a: {  	_ =	shalt  }
0x5b: {  	_ =	shalt  }
0x5c: {  	_ =	shalt  }
0x5d: {  	_ =	shalt  }
0x5e: {  	_ =	shalt  }
0x5f: {  	_ =	shalt  }
0x60: {  	_ =	shalt  }
0x61: {  	_ =	shalt  }
0x62: {  	_ =	shalt  }
0x63: {  	_ =	shalt  }
0x64: {  	_ =	shalt  }
0x65: {  	_ =	shalt  }
0x66: {  	_ =	shalt  }
0x67: {  	_ =	shalt  }
0x68: {  	_ =	shalt  }
0x69: {  	_ =	shalt  }
0x6a: {  	_ =	shalt  }
0x6b: {  	_ =	shalt  }
0x6c: {  	_ =	shalt  }
0x6d: {  	_ =	shalt  }
0x6e: {  	_ =	shalt  }
0x6f: {  	_ =	shalt  }
0x70: {  	_ =	shalt  }
0x71: {  	_ =	shalt  }
0x72: {  	_ =	shalt  }
0x73: {  	_ =	shalt  }
0x74: {  	_ =	shalt  }
0x75: {  	_ =	shalt  }
0x76: {  	_ =	shalt  }
0x77: {  	_ =	shalt  }
0x78: {  	_ =	shalt  }
0x79: {  	_ =	shalt  }
0x7a: {  	_ =	shalt  }
0x7b: {  	_ =	shalt  }
0x7c: {  	_ =	shalt  }
0x7d: {  	_ =	shalt  }
0x7e: {  	_ =	shalt  }
0x7f: {  	_ =	shalt  }
0x80: {  	_ =	shalt  }
0x81: {  	_ =	shalt  }
0x82: {  	_ =	shalt  }
0x83: {  	_ =	shalt  }
0x84: {  	_ =	shalt  }
0x85: {  	_ =	shalt  }
0x86: {  	_ =	shalt  }
0x87: {  	_ =	shalt  }
.Lfunc_end0:
.L_simem_size_0:
called_computation_lowered:
.L_overlay_start_0:
0x88: {  	s0 =	sld [smem:$0x3FD9]  }
0x89: {  	s1 =	sld [smem:$0x3FFE];
	_ =	sdelay $0x3  }
0x8a: {  	s0 =	sadd.s32 s1, s0  }
0x8b: {  	[smem:$0x3FC6] =	sst s0  }
0x8c: {  	_ = 	snop  }
0x8d: {  	s0 =	sld [smem:$0x3FC9]  }
0x8e: {  	s17 =	sld [smem:$0x3FC8]  }
0x8f: {  	s2 =	sld [smem:$0x3FD0];
	(tm) =	ssettm $0x1  }
0x90: {  	s3 =	sld [smem:$0x3FFB];
	_ =	sdelay $0x3  }
0x91: {  	_ =	strace s3  }
0x92: {  	s3 =	sld [smem:$0x3FFC];
	_ =	sdelay $0x3  }
0x93: {  	_ =	strace s3  }
0x94: {  	s3 =	sld [smem:$0x3FFD];
	_ =	sdelay $0x3  }
0x95: {  	_ =	strace s3  }
0x96: {  	_ =	strace $0x8FFFFFFF  }
0x97: {  	s18 =	sld [smem:$0x3FDB];
	_ =	sdelay $0x1  }
0x98: {  	s4 =	simm.s32 $_scs_section_size  }
0x99: {  	s5 =	simm.s32 $_size__tile_overlayer_lowered;
	s6 =	simm.s32 $_tile_overlayer_lowered  }
0x9a: {  	s21 =	simm.s32 $0x1BFF;
	s20 =	sshll.u32 s6, $0x1;
	s3 =	sadd.s32 s4, s18  }
0x9b: {  	s7 =	simm.s32 $0x0;
	s19 =	sshll.u32 s5, $0x1;
	s5 =	sadd.s32 s20, s3  }
0x9c: {  	[timem:s7], [sflag:s21] =	dma.local [hbm:s5], s19  }
0x9d: {  	_ =	swait.ge [sflag:s21], s19  }
0x9e: {  	s4 =	ssub.s32 $0x0, s19;
	[sflag:s21] =	ssyncset.done $0x0  }
0x9f: {  	[sflag:s21] =	ssyncadd.s32 s4;
	_ =	sdelay $0x1  }
0xa0: {  	s22 =	simm.s32 $0x1B8B  }
0xa1: {  	_ =	swait.ge [sflag:s22], $0x1  }
0xa2: {  	[sflag:s22] =	ssyncset.done $0x0  }
0xa3: {  	s23 =	simm.s32 $0x1B8E;
	[sflag:s22] =	ssyncadd.s32 $0xFFFFFFFF  }
0xa4: {  	s24 =	simm.s32 $execute0_lowered;
	[smem:$0x3FD2] =	sst s23  }
0xa5: {  	s4 =	sshll.u32 s24, $0x1;
	_ =	strace $0x80000046;
	[dreg:$0x1] =	wrdreg $0xFFFFFFFF  }
0xa6: {  	s25 =	simm.s32 $_size_execute0_lowered;
	s3 =	sadd.s32 s3, s4;
	[dreg:$0x0] =	wrdreg $0x0  }
0xa7: {  	s4 =	sshll.u32 s25, $0x1;
	[dreg:$0x2] =	wrdreg s3  }
0xa8: {  	[dreg:$0x3] =	wrdreg s4  }
0xa9: {  	[dreg:$0x4] =	wrdreg $0xC0  }
0xaa: {  	_ =	task [dreg:s7], $0x5FFFF  }
0xab: {  	[dreg:$0x1] =	wrdreg $0xFFFFFFFF  }
0xac: {  	[dreg:$0x0] =	wrdreg $0x60  }
0xad: {  	[dreg:$0x2] =	wrdreg s0  }
0xae: {  	[dreg:$0x3] =	wrdreg s17  }
0xaf: {  	[dreg:$0x4] =	wrdreg s2  }
0xb0: {  	[dreg:$0x5] =	wrdreg $0xD5800  }
0xb1: {  	[dreg:$0x6] =	wrdreg $0xD7000  }
0xb2: {  	[dreg:$0x7] =	wrdreg $0x9  }
0xb3: {  	_ =	task.clear_ibuf [dreg:s7], $0x8FFFF;
	_ =	strace $0x90000046  }
0xb4: {  	s26 =	simm.s32 $0x9;
	_ =	strace $0x80000048  }
0xb5: {  	_ =	swait.ge [sflag:s26], $0x1  }
0xb6: {  	[sflag:s26] =	ssyncadd.s32 $0xFFFFFFFF  }
0xb7: {  	_ =	strace $0x90000048  }
0xb8: {  	_ =	sfence  }
0xb9: {  	s28 =	sld [smem:$0x0];
	_ =	sdelay $0x1  }
0xba: {  	s29 =	srdreg.scid  }
0xbb: {  	s30 =	sshll.u32 s29, $0xD;
	s31 =	sshrl.u32 s29, $0x2  }
0xbc: {  	s1 =	sand.u32 $0x1, s29;
	s2 =	sand.u32 $0x4000, s30;
	s0 =	sadd.s32 s31, s28  }
0xbd: {  	s1 =	sor.u32 s2, s1;
	s0 =	sshll.u32 s0, $0x11  }
0xbe: {  	s0 =	sor.u32 s0, s1  }
0xbf: {  	s0 =	sadd.s32 $0x8F2B, s0  }
0xc0: {  	[sflag:s0] =	ssyncadd.remote.s32 $0x1  }
0xc1: {  	_ =	sfence.sel $0xFFFF  }
0xc2: {  	[dreg:$0x0] =	wrdreg $0xFFFFFFFF;
	(pc) =	sbr.abs _section_cstart, $3  }
0xc3: {  	[dreg:$0x1] =	wrdreg $0xFFFFFFFF  }
0xc4: {  	_ =	task.clear_ibuf [dreg:s7], $0x2FFFF;
	_ =	strace $0x9FFFFFFF  }
0xc5: {  	(tm) =	ssettm $0x7FFFFFFF  }
tec
execute0_lowered:
.L_overlay_start_1:
0x0: {  	(tag) =	ssettag $0x1  }
0x1: {  	s6 =	rddreg [dreg:$0x0]  }
0x2: {  	s7 =	rddreg [dreg:$0x1]  }
0x3: {  	s1 =	rddreg [dreg:$0x2]  }
0x4: {  	s4 =	rddreg [dreg:$0x3]  }
0x5: {  	s5 =	stileid.u32;
	s2 =	rddreg [dreg:$0x4]  }
0x6: {  	s0 =	rddreg [dreg:$0x5];
	s3 =	sshll.u32 s5, $0x3  }
0x7: {  	s8 =	simm.s32 $0x0;
	s31 =	simm.s32 $0x3400;
	s3 =	sand.u32 $0x38, s3  }
0x8: {  	[smem:$0x7FF] =	sst s8;
	s9 =	sshll.u32 s5, $0x7;
	s10 =	sshrl.u32 s3, $0x3  }
0x9: {  	s6 =	sadd.s32 s6, s9;
	_ =	strace $0x80000047;
	s29 =	smul.u32 $0x1400, s10  }
0xa: {  	[tilespmem:s8], [sflag:$0x2] =	stream.linear.gather [hbm4b:s6+s8], $0x400, $0x38;
	[tilespmem:$0xD708] =	vst v63  }
0xb: {  	s6 =	simm.s32 $0x0;
	s30 =	sadd.s32 s7, s29;
	s7 =	simm.s32 $0x200  }
0xc: {  	v0 =	vimm.f32 $0.0e+00;
	[tilespmem:s31], [sflag:$0x1] =	stream.linear.gather [hbm4b:s30+s8], $0xA000, $0x38;
	[tilespmem:$0xD708] =	vst v63  }
.LBB2_1:
0xd: {  	p0 =	sne.s32 s7, $0x5E00;
	[tilespmem:s6+$0x470] =	vst v0  }
0xe: {  	[tilespmem:s6+$0x400] =	vst v0  }
0xf: {  	[tilespmem:s6+$0x410] =	vst v0  }
.Ltmp0:
0x10: {  	[tilespmem:s6+$0x420] =	vst v0;
	(pc) =	sbr.rel @p0 .LBB2_1-.Ltmp0, $4  }
0x11: {  	[tilespmem:s6+$0x430] =	vst v0  }
0x12: {  	[tilespmem:s6+$0x440] =	vst v0  }
0x13: {  	[tilespmem:s6+$0x450] =	vst v0  }
0x14: {  	[tilespmem:s6+$0x460] =	vst v0;
	s6 =	sshra.s32 s7, $0x2;
	s7 =	sadd.s32 $0x200, s7  }
0x15: {  	[tilespmem:s6+$0x470] =	vst v0  }
0x16: {  	[tilespmem:s6+$0x400] =	vst v0  }
0x17: {  	[tilespmem:s6+$0x410] =	vst v0  }
0x18: {  	[tilespmem:s6+$0x420] =	vst v0  }
0x19: {  	[tilespmem:s6+$0x430] =	vst v0  }
0x1a: {  	[tilespmem:s6+$0x440] =	vst v0  }
0x1b: {  	[tilespmem:s6+$0x450] =	vst v0  }
0x1c: {  	[tilespmem:s6+$0x460] =	vst v0;
	v0 =	vlaneseq.u32  }
0x1d: {  	[tilespmem:$0xD480] =	vst v0;
	v1 =	vor.u32 $0x10, v0  }
0x1e: {  	p0 =	sne.s32 s5, $0x0;
	v0 =	vor.u32 $0x20, v0;
	[tilespmem:$0xD490] =	vst v1  }
0x1f: {  	s6 =	simm.s32 @!p0 $0x400;
	[tilespmem:$0xD4A0] =	vst v0  }
0x20: {  	[spmem:s4] =	stream.linear.scatter @!p0 [tilespmem:s6], [sflag:$0x3], $0x1800, $0x38;
	[tilespmem:$0xD708] =	vst v63  }
0x21: {  	s6 =	simm.s32 @!p0 $0x3  }
0x22: {  	_ =	swait.ge @!p0 [sflag:s6], $0x1800  }
0x23: {  	s5 =	sshrl.u32 s5, $0x3;
	[sflag:s6] =	ssyncset.done @!p0 $0x0  }
0x24: {  	s31 =	simm.s32 $0x2;
	s7 =	sshll.u32 s5, $0x6;
	[sflag:s6] =	ssyncadd.s32 @!p0 $0xFFFFE800  }
0x25: {  	vm0 =	vmxor vm0, vm0;
	p1 =	sne.s32 s5, $0x0;
	s7 =	sadd.s32 s7, s2;
	_ =	swait.ge [sflag:s31], $0x400  }
0x26: {  	vm1 =	vmmov $0xff;
	s8 =	simm.s32 $0x0;
	vm0 =	vmneg @p1 vm0;
	s3 =	sadd.s32 s3, s7;
	[sflag:s31] =	ssyncset.done $0x0  }
0x27: {  	v0 =	vimm.f32 $1.000000000e+00;
	vm0 =	vmand vm0, vm1;
	s7 =	simm.s32 $0x40;
	s6 =	simm.s32 $0x400;
	[sflag:s31] =	ssyncadd.s32 $0xFFFFFC00  }
.LBB2_3:
0x28: {  	p1 =	sne.s32 s7, $0xFC0;
	v1 =	vld [tilespmem:s8+$0x0];
	_ =	sdelay $0x3  }
.Ltmp1:
0x29: {  	(pc) =	sbr.rel @p1 .LBB2_3-.Ltmp1, $2  }
0x2a: {  	_ =	sdelay $0x2  }
0x2b: {  	s8 =	sshra.s32 s7, $0x2;
	s7 =	sadd.s32 $0x40, s7;
	[tilespmem:v1+s6+$0x0] =	vst.idx.add.f32.msk $0xffff, v0  }
0x2c: {  	v1 =	vld [tilespmem:s8+$0x0];
	_ =	sdelay $0x7  }
0x2d: {  	s19 =	simm.s32 $0x30;
	s7 =	simm.s32 $0xD480;
	[tilespmem:v1+s6+$0x0] =	vst.idx.add.f32.msk $0xffff, v0  }
0x2e: {  	s20 =	simm.s32 $0x400;
	s21 =	simm.s32 $0x3;
	[bflag:$0x0] =	sbarrier.arrive $0xFFFF  }
0x2f: {  	[spmem:s4] =	stream.indirect.scatter.add.f32 [tilespmem:s20], [sflag:$0x3], $0x80, s7, s19, $0xb8;
	[tilespmem:$0xD708] =	vst v63  }
0x30: {  	_ =	swait.ge [sflag:s21], $0x1800  }
0x31: {  	[sflag:s21] =	ssyncset.done $0x0  }
0x32: {  	[sflag:s21] =	ssyncadd.s32 $0xFFFFE800  }
0x33: {  	s22 =	simm.s32 $0x1C00;
	s23 =	simm.s32 $0x1;
	[bflag:$0x0] =	sbarrier.arrive $0xFFFF  }
0x34: {  	[tilespmem:s22], [sflag:$0x2] =	stream.linear.gather [spmem:s4], $0x1800, $0x38;
	[tilespmem:$0xD708] =	vst v63  }
0x35: {  	_ =	swait.ge [sflag:s23], $0xA000  }
0x36: {  	s24 =	simm.s32 $0x2;
	[sflag:s23] =	ssyncset.done $0x0  }
0x37: {  	s25 =	sshll.u32 s5, $0x2;
	s4 =	smul.u32 $0x9C0, s5;
	[sflag:s23] =	ssyncadd.s32 $0xFFFF6000  }
0x38: {  	s11 =	smul.u32 $0x4E00, s5;
	s26 =	sand.u32 $0x7, s25;
	_ =	swait.ge [sflag:s24], $0x1800  }
0x39: {  	s5 =	sshll.u32 s26, $0x4;
	s28 =	sadd.s32 $0x0, s4;
	[sflag:s24] =	ssyncset.done $0x0  }
0x3a: {  	s5 =	sadd.s32 s5, s11;
	s29 =	sand.u32 $0xFFFFFFF0, s28;
	[sflag:s24] =	ssyncadd.s32 $0xFFFFE800  }
0x3b: {  	s31 =	sand.u32 $0xFFFFFC00, s11;
	s5 =	sor.u32 $0x380, s5;
	s30 =	sand.u32 $0x70, s28;
	v0 =	vld [tilespmem:s29+$0x1C00]  }
0x3c: {  	v1 =	vld [tilespmem:s5+$0x3400];
	s5 =	sor.u32 s30, s31  }
0x3d: {  	v13 =	vld [tilespmem:s5+$0x3400]  }
0x3e: {  	v12 =	vld [tilespmem:s5+$0x3480]  }
0x3f: {  	v8 =	vimm.f32 $0.0e+00;
	v5 =	vimm.f32 $0.0e+00;
	v6 =	vimm.f32 $0.0e+00;
	v10 =	vld [tilespmem:s5+$0x3500]  }
0x40: {  	s9 =	simm.s32 $0x10;
	v7 =	vimm.f32 $0.0e+00;
	v4 =	vimm.f32 $0.0e+00;
	v3 =	vimm.f32 $0.0e+00;
	s7 =	sadd.s32 $0x1, s25;
	v9 =	vld [tilespmem:s5+$0x3580]  }
0x41: {  	s8 =	simm.s32 $0x20;
	v2 =	vimm.f32 $0.0e+00;
	s6 =	sadd.s32 $0x80, s11;
	s10 =	sand.u32 $0x7, s7;
	v11 =	vld [tilespmem:s5+$0x3600];
	v14 =	vmul.f32 v1, v0;
	v1 =	vimm.f32 $0.0e+00  }
.LBB2_5:
0x42: {  	p1 =	sne.s32 s8, $0x9B0;
	s10 =	sshll.u32 s10, $0x4;
	s9 =	sadd.s32 s9, s4;
	v13 =	vmul.f32 v13, v0;
	v15 =	vld [tilespmem:s5+$0x3680]  }
0x43: {  	s10 =	sadd.s32 s10, s6;
	s11 =	sand.u32 $0x70, s9;
	s9 =	sand.u32 $0xFFFFFFF0, s9;
	v12 =	vmul.f32 v12, v0;
	v16 =	vld [tilespmem:s5+$0x3700];
	v8 =	vadd.f32 v14, v8  }
0x44: {  	s5 =	sand.u32 $0xFFFFFC00, s6;
	v14 =	vld [tilespmem:s9+$0x1C00];
	s10 =	sor.u32 $0x380, s10;
	v5 =	vadd.f32 v13, v5;
	v10 =	vmul.f32 v10, v0;
	s9 =	smov.u32 s8  }
0x45: {  	s5 =	sor.u32 s11, s5;
	v17 =	vld [tilespmem:s10+$0x3400];
	v6 =	vadd.f32 v12, v6;
	v9 =	vmul.f32 v9, v0  }
.Ltmp2:
0x46: {  	v13 =	vld [tilespmem:s5+$0x3400];
	v7 =	vadd.f32 v10, v7;
	v11 =	vmul.f32 v11, v0;
	(pc) =	sbr.rel @p1 .LBB2_5-.Ltmp2, $4  }
0x47: {  	v12 =	vld [tilespmem:s5+$0x3480];
	v4 =	vadd.f32 v9, v4;
	v15 =	vmul.f32 v15, v0  }
0x48: {  	v10 =	vld [tilespmem:s5+$0x3500];
	v3 =	vadd.f32 v11, v3;
	v16 =	vmul.f32 v16, v0  }
0x49: {  	s7 =	sadd.s32 $0x1, s7;
	v9 =	vld [tilespmem:s5+$0x3580];
	v1 =	vadd.f32 v15, v1;
	v0 =	vmov v14  }
0x4a: {  	s6 =	sadd.s32 $0x80, s6;
	s8 =	sadd.s32 $0x10, s8;
	s10 =	sand.u32 $0x7, s7;
	v11 =	vld [tilespmem:s5+$0x3600];
	v14 =	vmul.f32 v17, v0;
	v2 =	vadd.f32 v16, v2  }
0x4b: {  	v15 =	vld [tilespmem:s5+$0x3680]  }
0x4c: {  	s7 =	sshll.u32 s10, $0x4;
	s4 =	sadd.s32 s9, s4;
	v16 =	vld [tilespmem:s5+$0x3700]  }
0x4d: {  	v63 =	vld [tilespmem:$0x2F80];
	s7 =	sadd.s32 s7, s6;
	s8 =	sand.u32 $0xFFFFFFF0, s4  }
0x4e: {  	s26 =	sand.u32 $0xFFFFFC00, s6;
	s4 =	sand.u32 $0x70, s4;
	v17 =	vld [tilespmem:s8+$0x1C00];
	s28 =	sor.u32 $0x380, s7  }
0x4f: {  	s4 =	sor.u32 s4, s26;
	v18 =	vld [tilespmem:s28+$0x3400]  }
0x50: {  	v21 =	vlaneseq.u32;
	v19 =	vld [tilespmem:s4+$0x3400]  }
0x51: {  	v21 =	vand.u32 $0x7, v21;
	v20 =	vld [tilespmem:s4+$0x3480]  }
0x52: {  	v13 =	vmul.f32 v13, v0;
	v12 =	vmul.f32 v12, v0;
	v24 =	vor.u32 $0x9C00, v21;
	v22 =	vld [tilespmem:s4+$0x3500]  }
0x53: {  	v8 =	vadd.f32 v14, v8;
	v10 =	vmul.f32 v10, v0;
	v25 =	vor.u32 $0x9C80, v21;
	v23 =	vld [tilespmem:s4+$0x3580]  }
0x54: {  	v5 =	vadd.f32 v13, v5;
	v26 =	vor.u32 $0x9D00, v21;
	v62 =	vor.u32 $0x9D80, v21;
	v59 =	vld [tilespmem:s4+$0x3600]  }
0x55: {  	v27 =	vor.u32 $0x9E00, v21;
	v31 =	vor.u32 $0x9E80, v21;
	v9 =	vmul.f32 v9, v0;
	v60 =	vld [tilespmem:s4+$0x3680]  }
0x56: {  	s29 =	simm.s32 $0x3400;
	v34 =	vor.u32 $0x9F00, v21;
	v36 =	vor.u32 $0x9F80, v21;
	v6 =	vadd.f32 v12, v6;
	v61 =	vld [tilespmem:s4+$0x3700]  }
0x57: {  	v7 =	vadd.f32 v10, v7;
	v11 =	vmul.f32 v11, v0;
	v4 =	vadd.f32 v9, v4;
	v30 =	vld.idx.msk [tilespmem:v24+s29+$0x0], $0xffff  }
0x58: {  	v15 =	vmul.f32 v15, v0;
	v29 =	vmul.f32 v16, v0;
	v9 =	vnsel vm0, $0x0, v63;
	v33 =	vld.idx.msk [tilespmem:v25+s29+$0x0], $0xffff  }
0x59: {  	v3 =	vadd.f32 v11, v3;
	v35 =	vld.idx.msk [tilespmem:v26+s29+$0x0], $0xffff;
	v32 =	vmul.f32 v19, v17;
	v37 =	vmul.f32 v20, v17  }
0x5a: {  	v1 =	vadd.f32 v15, v1;
	v12 =	vld.idx.msk [tilespmem:v62+s29+$0x0], $0xffff;
	v38 =	vmul.f32 v22, v17;
	v39 =	vmul.f32 v23, v17  }
0x5b: {  	v0 =	vadd.f32 v29, v2;
	v40 =	vld.idx.msk [tilespmem:v27+s29+$0x0], $0xffff;
	v14 =	vmul.f32 v59, v17;
	v45 =	vmul.f32 v18, v17  }
0x5c: {  	v42 =	vld.idx.msk [tilespmem:v31+s29+$0x0], $0xffff;
	v13 =	vmul.f32 v60, v17;
	v5 =	vadd.f32 v32, v5;
	v41 =	vmul.f32 v30, v9  }
0x5d: {  	v44 =	vld.idx.msk [tilespmem:v34+s29+$0x0], $0xffff;
	v10 =	vmul.f32 v61, v17;
	v6 =	vadd.f32 v37, v6;
	v43 =	vmul.f32 v33, v9  }
0x5e: {  	v15 =	vld.idx.msk [tilespmem:v36+s29+$0x0], $0xffff;
	v7 =	vadd.f32 v38, v7;
	v2 =	vmul.f32 v35, v9;
	v5 =	vadd.f32 v41, v5  }
0x5f: {  	v4 =	vadd.f32 v39, v4;
	v12 =	vmul.f32 v12, v9;
	v6 =	vadd.f32 v43, v6  }
0x60: {  	v3 =	vadd.f32 v14, v3;
	v46 =	vmul.f32 v40, v9;
	v2 =	vadd.f32 v2, v7;
	(xrf2) =	vadd.scan.msk.f32 $0xffff, v5  }
0x61: {  	v1 =	vadd.f32 v13, v1;
	v47 =	vmul.f32 v42, v9;
	v4 =	vadd.f32 v12, v4;
	(xrf2) =	vadd.scan.msk.f32 $0xffff, v6  }
0x62: {  	v0 =	vadd.f32 v10, v0;
	v48 =	vmul.f32 v44, v9;
	v3 =	vadd.f32 v46, v3;
	(xrf2) =	vadd.scan.msk.f32 $0xffff, v2  }
0x63: {  	v49 =	vadd.f32 v45, v8;
	v50 =	vmul.f32 v15, v9;
	v1 =	vadd.f32 v47, v1;
	(xrf2) =	vadd.scan.msk.f32 $0xffff, v4  }
0x64: {  	v0 =	vadd.f32 v48, v0;
	(xrf2) =	vadd.scan.msk.f32 $0xffff, v3  }
0x65: {  	v2 =	vadd.f32 v50, v49;
	(xrf2) =	vadd.scan.msk.f32 $0xffff, v1  }
0x66: {  	(xrf2) =	vadd.scan.msk.f32 $0xffff, v0  }
0x67: {  	(xrf2) =	vadd.scan.msk.f32 $0xffff, v2;
	_ =	sdelay $0x2  }
0x68: {  	v51, _, _ =	vpop (xrf2)  }
0x69: {  	v52, _, _ =	vpop (xrf2);
	v0 =	vbroadcast v51, $0xF  }
0x6a: {  	vm8 =	vmmov $0x1;
	v53, _, _ =	vpop (xrf2);
	v1 =	vbroadcast v52, $0xF  }
0x6b: {  	vm9 =	vcmask $0x320;
	v54, _, _ =	vpop (xrf2);
	v0 =	vnsel vm8, $0x0, v0;
	v2 =	vbroadcast v53, $0xF  }
0x6c: {  	vm10 =	vcmask $0x720;
	v55, _, _ =	vpop (xrf2);
	v0 =	vsel vm9, v0, v1;
	v56 =	vbroadcast v54, $0xF  }
0x6d: {  	vm11 =	vcmask $0xB20;
	v57, _, _ =	vpop (xrf2);
	v0 =	vsel vm10, v0, v2;
	v58 =	vbroadcast v55, $0xF  }
0x6e: {  	vm12 =	vcmask $0xF20;
	v59, _, _ =	vpop (xrf2);
	v0 =	vsel vm11, v0, v56;
	v60 =	vbroadcast v57, $0xF  }
0x6f: {  	vm13 =	vcmask $0x1320;
	v0 =	vsel vm12, v0, v58;
	v61 =	vbroadcast v59, $0xF;
	v62, _, _ =	vpop (xrf2)  }
0x70: {  	vm14 =	vcmask $0x1720;
	v0 =	vsel vm13, v0, v60;
	v63 =	vbroadcast v62, $0xF  }
0x71: {  	vm15 =	vcmask $0x1B20;
	v0 =	vsel vm14, v0, v61  }
0x72: {  	v0 =	vsel vm15, v0, v63  }
0x73: {  	s30 =	simm.s32 $0xD400;
	s31 =	simm.s32 $0x3;
	[tilespmem:$0xD400] =	vst v0  }
0x74: {  	[spmem:s3] =	stream.linear.scatter [tilespmem:s30], [sflag:$0x3], $0x8, $0x38;
	[tilespmem:$0xD708] =	vst v63  }
0x75: {  	_ =	swait.ge [sflag:s31], $0x8  }
0x76: {  	[sflag:s31] =	ssyncset.done $0x0  }
0x77: {  	[sflag:s31] =	ssyncadd.s32 $0xFFFFFFF8  }
0x78: {  	[bflag:$0x0] =	sbarrier.arrive $0xFFFF  }
0x79: {  	_ =	sfence.sel @p0 $0x180000  }
0x7a: {  	[bflag:$0x0] =	sbarrier.arrive @p0 $0xFFFF  }
0x7b: {  	_ =	strace @p0 $0x90000047  }
0x7c: {  	s3 =	simm.s32 @!p0 $0xD500;
	[bflag:$0x2] =	sbarrier.arrive @p0 $0xFFFF  }
0x7d: {  	[tilespmem:s3], [sflag:$0x3] =	stream.linear.gather @!p0 [spmem:s2], $0x80, $0x38;
	[tilespmem:$0xD708] =	vst v63  }
0x7e: {  	s2 =	simm.s32 @!p0 $0x3  }
0x7f: {  	_ =	swait.ge @!p0 [sflag:s2], $0x80  }
0x80: {  	[sflag:s2] =	ssyncset.done @!p0 $0x0  }
0x81: {  	[sflag:s2] =	ssyncadd.s32 @!p0 $0xFFFFFF80  }
0x82: {  	v0 =	vld @!p0 [tilespmem:$0xD500]  }
0x83: {  	v1 =	vld @!p0 [tilespmem:$0xD540]  }
0x84: {  	v2 =	vld @!p0 [tilespmem:$0xD510]  }
0x85: {  	v3 =	vld @!p0 [tilespmem:$0xD550]  }
0x86: {  	v4 =	vld @!p0 [tilespmem:$0xD520]  }
0x87: {  	v5 =	vld @!p0 [tilespmem:$0xD560]  }
0x88: {  	v6 =	vld @!p0 [tilespmem:$0xD530]  }
0x89: {  	v7 =	vld @!p0 [tilespmem:$0xD570];
	_ =	sdelay $0x1  }
0x8a: {  	v0 =	vadd.f32 @!p0 v1, v0  }
0x8b: {  	v1 =	vadd.f32 @!p0 v3, v2  }
0x8c: {  	v2 =	vadd.f32 @!p0 v5, v4;
	v0 =	vmul.f32 @!p0 $6.103515630e-05, v0  }
0x8d: {  	v3 =	vadd.f32 @!p0 v7, v6;
	v1 =	vmul.f32 @!p0 $6.103515630e-05, v1  }
0x8e: {  	[tilespmem:$0xD400] =	vst @!p0 v0;
	v0 =	vmul.f32 @!p0 $6.103515630e-05, v2  }
0x8f: {  	[tilespmem:$0xD410] =	vst @!p0 v1;
	v1 =	vmul.f32 @!p0 $6.103515630e-05, v3  }
0x90: {  	[tilespmem:$0xD420] =	vst @!p0 v0  }
0x91: {  	s4 =	simm.s32 @!p0 $0xD400;
	s3 =	simm.s32 @!p0 $0x0;
	[tilespmem:$0xD430] =	vst @!p0 v1  }
0x92: {  	[hbm4b:s1+s3] =	stream.linear.scatter @!p0 [tilespmem:s4], [sflag:$0x3], $0x80, $0x38;
	[tilespmem:$0xD708] =	vst v63  }
0x93: {  	_ =	swait.ge @!p0 [sflag:s2], $0x80  }
0x94: {  	[sflag:s2] =	ssyncset.done @!p0 $0x0  }
0x95: {  	[sflag:s2] =	ssyncadd.s32 @!p0 $0xFFFFFF80  }
0x96: {  	_ =	sfence.sel @!p0 $0x180000  }
0x97: {  	[bflag:$0x0] =	sbarrier.arrive @!p0 $0xFFFF  }
0x98: {  	_ =	strace @!p0 $0x90000047  }
0x99: {  	s0 =	sadd.s32 @!p0 $0x100000, s0;
	[bflag:$0x2] =	sbarrier.arrive @!p0 $0xFFFF  }
0x9a: {  	[sflag:s0] =	ssyncadd.tile.s32 @!p0 $0x1;
	_ =	shalt  }
.Lfunc_end2:
_tile_overlayer_lowered:
.L_overlay_start_2:
0x9b: {  	(tag) =	ssettag $0x2  }
0x9c: {  	s0 =	rddreg [dreg:$0x0];
	s2 =	stileid.u32  }
0x9d: {  	s1 =	rddreg [dreg:$0x1];
	p0 =	sne.s32 s2, $0x0  }
0x9e: {  	s3 =	rddreg [dreg:$0x2];
	[bflag:$0x3] =	sbarrier.arrive $0xFFFF;
	s2 =	simm.s32 @!p0 $0x1C03  }
0x9f: {  	[timem:s3], [sflag:s2] =	dma.local @!p0 [hbm:s0], s1  }
0xa0: {  	s0 =	simm.s32 @!p0 $0x3  }
0xa1: {  	_ =	swait.ge @!p0 [sflag:s0], s1  }
0xa2: {  	s1 =	ssub.s32 @!p0 $0x0, s1;
	[sflag:s0] =	ssyncset.done @!p0 $0x0  }
0xa3: {  	[sflag:s0] =	ssyncadd.s32 @!p0 s1  }
0xa4: {  	[bflag:$0x3] =	sbarrier.arrive $0xFFFF  }
0xa5: {  	_ =	shalt  }

</sc_bundles>
